<compile_context>
chip_gen: v7x
topology: tpu7x:2x2x1
jax: 0.10.2.dev20260603
libtpu: 0.0.44.dev20260713+nightly
codegen_flags: <defaults>
</compile_context>

<pallas_src>
import functools

import jax
import jax.numpy as jnp
from jax import lax
from jax.experimental import pallas as pl
from jax.experimental.pallas import tpu as pltpu
from jax.experimental.pallas import tpu_sc as plsc

_NUM_KEYS = 8192
_KEY_DIM = 32
_BATCH = 16384
_OUT_DIM = 10
_PAD_OUT = 128

_BB = 1024


def _argmax_decode_kernel(x_ref, keys_ref, values_ref, w_ref, b_ref,
                          idx_ref, dec_ref):
  sim = lax.dot_general(x_ref[...], keys_ref[...], (((1,), (1,)), ((), ())),
                        preferred_element_type=jnp.float32)
  idx_ref[...] = jnp.argmax(sim, axis=1).astype(jnp.int32)

  @pl.when(pl.program_id(0) == 0)
  def _():
    dec = lax.dot_general(values_ref[...], w_ref[...],
                          (((1,), (1,)), ((), ())),
                          preferred_element_type=jnp.float32)
    dec = dec + b_ref[...]
    pad = jnp.zeros((_NUM_KEYS, _PAD_OUT - _OUT_DIM), jnp.float32)
    dec_ref[...] = jnp.concatenate([dec, pad], axis=1)


def _argmax_and_decode(x, keys, values, w, b):
  grid = _BATCH // _BB
  return pl.pallas_call(
      _argmax_decode_kernel,
      grid=(grid,),
      in_specs=[
          pl.BlockSpec((_BB, _KEY_DIM), lambda i: (i, 0)),
          pl.BlockSpec((_NUM_KEYS, _KEY_DIM), lambda i: (0, 0)),
          pl.BlockSpec((_NUM_KEYS, _KEY_DIM), lambda i: (0, 0)),
          pl.BlockSpec((_OUT_DIM, _KEY_DIM), lambda i: (0, 0)),
          pl.BlockSpec((1, _OUT_DIM), lambda i: (0, 0)),
      ],
      out_specs=[
          pl.BlockSpec((_BB,), lambda i: (i,)),
          pl.BlockSpec((_NUM_KEYS, _PAD_OUT), lambda i: (0, 0)),
      ],
      out_shape=[
          jax.ShapeDtypeStruct((_BATCH,), jnp.int32),
          jax.ShapeDtypeStruct((_NUM_KEYS, _PAD_OUT), jnp.float32),
      ],
      compiler_params=pltpu.CompilerParams(
          vmem_limit_bytes=100 * 1024 * 1024,
          allow_input_fusion=[True, True, True, True, True]),
  )(x, keys, values, w, b)


def _make_sc_gather():
  info = plsc.get_sparse_core_info()
  nc, ns = info.num_cores, info.num_subcores
  nw = nc * ns
  b_per_w = _BATCH // nw
  mesh = plsc.VectorSubcoreMesh(core_axis_name="c", subcore_axis_name="s")

  @functools.partial(
      pl.kernel,
      out_type=jax.ShapeDtypeStruct((_BATCH, _PAD_OUT), jnp.float32),
      mesh=mesh,
      scratch_types=[
          pltpu.VMEM((b_per_w,), jnp.int32),
          pltpu.VMEM((8, b_per_w // 8, _PAD_OUT), jnp.float32),
          pltpu.SemaphoreType.DMA,
      ],
  )
  def gather(table_hbm, idx_hbm, out_hbm, idx_v, rows_v, sem):
    wid = lax.axis_index("s") * nc + lax.axis_index("c")
    base = wid * b_per_w
    ch = b_per_w // 8
    pltpu.sync_copy(idx_hbm.at[pl.ds(base, b_per_w)], idx_v)
    copies = [
        pltpu.async_copy(table_hbm.at[idx_v.at[pl.ds(c * ch, ch)]],
                         rows_v.at[c], sem)
        for c in range(8)
    ]
    for c in range(8):
      copies[c].wait()
      pltpu.sync_copy(rows_v.at[c], out_hbm.at[pl.ds(base + c * ch, ch)])

  return gather


_sc_gather = None


def kernel(x, keys, values, W_dec, b_dec):
  global _sc_gather
  if _sc_gather is None:
    _sc_gather = _make_sc_gather()
  idx, decoded = _argmax_and_decode(x, keys, values, W_dec,
                                    b_dec.reshape(1, _OUT_DIM))
  return _sc_gather(decoded, idx)[:, :_OUT_DIM]

# --- scband reference (transcript-rebuilt; emitter-appended) ---
"""Pipeline reference for scband-key-value-bottleneck-51049981280548 (READ-ONLY COPY).

The authoritative reference and input builder live on the scoring server;
editing this copy changes nothing except your own understanding.
"""

import jax, jax.numpy as jnp
import numpy as np

NUM_KEYS = 8192
KEY_DIM = 32
VALUE_DIM = 32
BATCH = 16384
OUT_DIM = 10


def setup_inputs(seed: int = 0) -> dict:
    key = jax.random.key(seed)
    k_x, k_keys, k_vals, k_w, k_b = jax.random.split(key, 5)
    x = jax.random.normal(k_x, (BATCH, KEY_DIM), dtype=jnp.float32)
    keys = jax.random.normal(k_keys, (NUM_KEYS, KEY_DIM), dtype=jnp.float32)
    values = jax.random.normal(k_vals, (NUM_KEYS, VALUE_DIM), dtype=jnp.float32)
    # decoder: nn.Linear(value_dim, 10)
    bound = 1.0 / np.sqrt(VALUE_DIM)
    W_dec = jax.random.uniform(k_w, (OUT_DIM, VALUE_DIM), dtype=jnp.float32, minval=-bound, maxval=bound)
    b_dec = jax.random.uniform(k_b, (OUT_DIM,), dtype=jnp.float32, minval=-bound, maxval=bound)
    return {"x": x, "keys": keys, "values": values, "W_dec": W_dec, "b_dec": b_dec}


def reference(x, keys, values, W_dec, b_dec):
    # encoder is identity (bottleneck operates on pre-encoded features)
    encoded = x.reshape(x.shape[0], -1)
    # similarities = encoded @ keys.T  -> [B, num_keys]
    similarities = jnp.matmul(encoded, keys.T)
    # nearest key per example
    nearest_key_index = jnp.argmax(similarities, axis=1)
    # gather values at nearest key indices (SparseCore gather)
    value = jnp.take(values, nearest_key_index, axis=0)
    # decoder linear
    out = jnp.matmul(value, W_dec.T) + b_dec
    return out

if __name__ == "__main__":
    import jax
    _d = setup_inputs()
    print(jax.jit(kernel)(*tuple(_d.values())))

</pallas_src>

<mosaic_0001>
#map = affine_map<(d0, d1) -> (0, 0)>
#map1 = affine_map<(d0, d1) -> (0)>
module attributes {stable_mosaic.version = 14 : i64} {
  func.func @gather(%arg0: i32, %arg1: i32, %arg2: memref<8192x128xf32, #tpu.memory_space<hbm>>, %arg3: memref<16384xi32, #tpu.memory_space<hbm>>, %arg4: memref<16384x128xf32, #tpu.memory_space<hbm>>, %arg5: memref<512xi32, #tpu.memory_space<vmem>>, %arg6: memref<8x64x128xf32, #tpu.memory_space<vmem>>, %arg7: memref<!tpu.dma_semaphore, #tpu.memory_space<semaphore_mem>>) attributes {dimension_semantics = [#tpu.dimension_semantics<core_parallel>, #tpu.dimension_semantics<subcore_parallel>], iteration_bounds = array<i64: 2, 16>, scalar_prefetch = 0 : i64, scratch_operands = 3 : i64, tpu.core_type = #tpu.core_type<sc_vector_subcore>, window_params = [{transform_indices = #map}, {transform_indices = #map1}, {transform_indices = #map}]} {
    %mul3A = arith.constant 2 : i32
    %mul3A_0 = arith.muli %arg1, %mul3A : i32
    %add3A = arith.addi %mul3A_0, %arg0 : i32
    %mul3A_1 = arith.constant 512 : i32
    %mul3A_2 = arith.muli %add3A, %mul3A_1 : i32
    "tpu.region"() ({
      %run_scoped3A_184 = tpu.sem_alloc : memref<!tpu.dma_semaphore, #tpu.memory_space<semaphore_mem>>
      %dma_start3A_185 = tpu.memref_slice %arg3[%mul3A_2] : memref<16384xi32, #tpu.memory_space<hbm>> -> memref<512xi32, #tpu.memory_space<hbm>>
      %dma_start3A_186 = tpu.memref_slice %arg3[%mul3A_2] : memref<16384xi32, #tpu.memory_space<hbm>> -> memref<512xi32, #tpu.memory_space<hbm>>
      tpu.enqueue_dma source(%dma_start3A_186 : memref<512xi32, #tpu.memory_space<hbm>>) target(%arg5 : memref<512xi32, #tpu.memory_space<vmem>>) target_semaphore(%run_scoped3A_184 : memref<!tpu.dma_semaphore, #tpu.memory_space<semaphore_mem>>)
      %dma_wait3A_187 = tpu.memref_slice %arg3[%mul3A_2] : memref<16384xi32, #tpu.memory_space<hbm>> -> memref<512xi32, #tpu.memory_space<hbm>>
      %dma_wait3A_188 = tpu.memref_slice %arg3[%mul3A_2] : memref<16384xi32, #tpu.memory_space<hbm>> -> memref<512xi32, #tpu.memory_space<hbm>>
      tpu.wait_dma2 semaphore(%run_scoped3A_184 : memref<!tpu.dma_semaphore, #tpu.memory_space<semaphore_mem>>) src(%dma_wait3A_188 : memref<512xi32, #tpu.memory_space<hbm>>) dst(%arg5 : memref<512xi32, #tpu.memory_space<vmem>>)
      tpu.yield
    }) : () -> ()
    %dma_start3A = arith.constant 0 : i32
    %dma_start3A_3 = arith.constant 0 : i32
    %dma_start3A_4 = arith.constant 0 : i32
    %dma_start3A_5 = tpu.memref_slice %arg6[%dma_start3A, %dma_start3A_3, %dma_start3A_4] : memref<8x64x128xf32, #tpu.memory_space<vmem>> -> memref<1x64x128xf32, #tpu.memory_space<vmem>>
    %dma_start3A_6 = tpu.memref_squeeze %dma_start3A_5 : memref<1x64x128xf32, #tpu.memory_space<vmem>> -> memref<64x128xf32, #tpu.memory_space<vmem>>
    %dma_start3A_7 = arith.constant 0 : i32
    %dma_start3A_8 = tpu.memref_slice %arg5[%dma_start3A_7] : memref<512xi32, #tpu.memory_space<vmem>> -> memref<64xi32, #tpu.memory_space<vmem>>
    %dma_start3A_9 = arith.constant 0 : i32
    %dma_start3A_10 = arith.constant 0 : i32
    %dma_start3A_11 = tpu.memref_slice %arg2[%dma_start3A_9, %dma_start3A_10] : memref<8192x128xf32, #tpu.memory_space<hbm>> -> memref<8192x128xf32, #tpu.memory_space<hbm>>
    tpu.enqueue_indirect_dma source(%dma_start3A_11 : memref<8192x128xf32, #tpu.memory_space<hbm>>) target(%dma_start3A_6 : memref<64x128xf32, #tpu.memory_space<vmem>>) offsets(%dma_start3A_8 : memref<64xi32, #tpu.memory_space<vmem>>) semaphore(%arg7 : memref<!tpu.dma_semaphore, #tpu.memory_space<semaphore_mem>>)
    %dma_start3A_12 = arith.constant 1 : i32
    %dma_start3A_13 = arith.constant 0 : i32
    %dma_start3A_14 = arith.constant 0 : i32
    %dma_start3A_15 = tpu.memref_slice %arg6[%dma_start3A_12, %dma_start3A_13, %dma_start3A_14] : memref<8x64x128xf32, #tpu.memory_space<vmem>> -> memref<1x64x128xf32, #tpu.memory_space<vmem>>
    %dma_start3A_16 = tpu.memref_squeeze %dma_start3A_15 : memref<1x64x128xf32, #tpu.memory_space<vmem>> -> memref<64x128xf32, #tpu.memory_space<vmem>>
    %dma_start3A_17 = arith.constant 64 : i32
    %dma_start3A_18 = tpu.memref_slice %arg5[%dma_start3A_17] : memref<512xi32, #tpu.memory_space<vmem>> -> memref<64xi32, #tpu.memory_space<vmem>>
    %dma_start3A_19 = arith.constant 0 : i32
    %dma_start3A_20 = arith.constant 0 : i32
    %dma_start3A_21 = tpu.memref_slice %arg2[%dma_start3A_19, %dma_start3A_20] : memref<8192x128xf32, #tpu.memory_space<hbm>> -> memref<8192x128xf32, #tpu.memory_space<hbm>>
    tpu.enqueue_indirect_dma source(%dma_start3A_21 : memref<8192x128xf32, #tpu.memory_space<hbm>>) target(%dma_start3A_16 : memref<64x128xf32, #tpu.memory_space<vmem>>) offsets(%dma_start3A_18 : memref<64xi32, #tpu.memory_space<vmem>>) semaphore(%arg7 : memref<!tpu.dma_semaphore, #tpu.memory_space<semaphore_mem>>)
    %dma_start3A_22 = arith.constant 2 : i32
    %dma_start3A_23 = arith.constant 0 : i32
    %dma_start3A_24 = arith.constant 0 : i32
    %dma_start3A_25 = tpu.memref_slice %arg6[%dma_start3A_22, %dma_start3A_23, %dma_start3A_24] : memref<8x64x128xf32, #tpu.memory_space<vmem>> -> memref<1x64x128xf32, #tpu.memory_space<vmem>>
    %dma_start3A_26 = tpu.memref_squeeze %dma_start3A_25 : memref<1x64x128xf32, #tpu.memory_space<vmem>> -> memref<64x128xf32, #tpu.memory_space<vmem>>
    %dma_start3A_27 = arith.constant 128 : i32
    %dma_start3A_28 = tpu.memref_slice %arg5[%dma_start3A_27] : memref<512xi32, #tpu.memory_space<vmem>> -> memref<64xi32, #tpu.memory_space<vmem>>
    %dma_start3A_29 = arith.constant 0 : i32
    %dma_start3A_30 = arith.constant 0 : i32
    %dma_start3A_31 = tpu.memref_slice %arg2[%dma_start3A_29, %dma_start3A_30] : memref<8192x128xf32, #tpu.memory_space<hbm>> -> memref<8192x128xf32, #tpu.memory_space<hbm>>
    tpu.enqueue_indirect_dma source(%dma_start3A_31 : memref<8192x128xf32, #tpu.memory_space<hbm>>) target(%dma_start3A_26 : memref<64x128xf32, #tpu.memory_space<vmem>>) offsets(%dma_start3A_28 : memref<64xi32, #tpu.memory_space<vmem>>) semaphore(%arg7 : memref<!tpu.dma_semaphore, #tpu.memory_space<semaphore_mem>>)
    %dma_start3A_32 = arith.constant 3 : i32
    %dma_start3A_33 = arith.constant 0 : i32
    %dma_start3A_34 = arith.constant 0 : i32
    %dma_start3A_35 = tpu.memref_slice %arg6[%dma_start3A_32, %dma_start3A_33, %dma_start3A_34] : memref<8x64x128xf32, #tpu.memory_space<vmem>> -> memref<1x64x128xf32, #tpu.memory_space<vmem>>
    %dma_start3A_36 = tpu.memref_squeeze %dma_start3A_35 : memref<1x64x128xf32, #tpu.memory_space<vmem>> -> memref<64x128xf32, #tpu.memory_space<vmem>>
    %dma_start3A_37 = arith.constant 192 : i32
    %dma_start3A_38 = tpu.memref_slice %arg5[%dma_start3A_37] : memref<512xi32, #tpu.memory_space<vmem>> -> memref<64xi32, #tpu.memory_space<vmem>>
    %dma_start3A_39 = arith.constant 0 : i32
    %dma_start3A_40 = arith.constant 0 : i32
    %dma_start3A_41 = tpu.memref_slice %arg2[%dma_start3A_39, %dma_start3A_40] : memref<8192x128xf32, #tpu.memory_space<hbm>> -> memref<8192x128xf32, #tpu.memory_space<hbm>>
    tpu.enqueue_indirect_dma source(%dma_start3A_41 : memref<8192x128xf32, #tpu.memory_space<hbm>>) target(%dma_start3A_36 : memref<64x128xf32, #tpu.memory_space<vmem>>) offsets(%dma_start3A_38 : memref<64xi32, #tpu.memory_space<vmem>>) semaphore(%arg7 : memref<!tpu.dma_semaphore, #tpu.memory_space<semaphore_mem>>)
    %dma_start3A_42 = arith.constant 4 : i32
    %dma_start3A_43 = arith.constant 0 : i32
    %dma_start3A_44 = arith.constant 0 : i32
    %dma_start3A_45 = tpu.memref_slice %arg6[%dma_start3A_42, %dma_start3A_43, %dma_start3A_44] : memref<8x64x128xf32, #tpu.memory_space<vmem>> -> memref<1x64x128xf32, #tpu.memory_space<vmem>>
    %dma_start3A_46 = tpu.memref_squeeze %dma_start3A_45 : memref<1x64x128xf32, #tpu.memory_space<vmem>> -> memref<64x128xf32, #tpu.memory_space<vmem>>
    %dma_start3A_47 = arith.constant 256 : i32
    %dma_start3A_48 = tpu.memref_slice %arg5[%dma_start3A_47] : memref<512xi32, #tpu.memory_space<vmem>> -> memref<64xi32, #tpu.memory_space<vmem>>
    %dma_start3A_49 = arith.constant 0 : i32
    %dma_start3A_50 = arith.constant 0 : i32
    %dma_start3A_51 = tpu.memref_slice %arg2[%dma_start3A_49, %dma_start3A_50] : memref<8192x128xf32, #tpu.memory_space<hbm>> -> memref<8192x128xf32, #tpu.memory_space<hbm>>
    tpu.enqueue_indirect_dma source(%dma_start3A_51 : memref<8192x128xf32, #tpu.memory_space<hbm>>) target(%dma_start3A_46 : memref<64x128xf32, #tpu.memory_space<vmem>>) offsets(%dma_start3A_48 : memref<64xi32, #tpu.memory_space<vmem>>) semaphore(%arg7 : memref<!tpu.dma_semaphore, #tpu.memory_space<semaphore_mem>>)
    %dma_start3A_52 = arith.constant 5 : i32
    %dma_start3A_53 = arith.constant 0 : i32
    %dma_start3A_54 = arith.constant 0 : i32
    %dma_start3A_55 = tpu.memref_slice %arg6[%dma_start3A_52, %dma_start3A_53, %dma_start3A_54] : memref<8x64x128xf32, #tpu.memory_space<vmem>> -> memref<1x64x128xf32, #tpu.memory_space<vmem>>
    %dma_start3A_56 = tpu.memref_squeeze %dma_start3A_55 : memref<1x64x128xf32, #tpu.memory_space<vmem>> -> memref<64x128xf32, #tpu.memory_space<vmem>>
    %dma_start3A_57 = arith.constant 320 : i32
    %dma_start3A_58 = tpu.memref_slice %arg5[%dma_start3A_57] : memref<512xi32, #tpu.memory_space<vmem>> -> memref<64xi32, #tpu.memory_space<vmem>>
    %dma_start3A_59 = arith.constant 0 : i32
    %dma_start3A_60 = arith.constant 0 : i32
    %dma_start3A_61 = tpu.memref_slice %arg2[%dma_start3A_59, %dma_start3A_60] : memref<8192x128xf32, #tpu.memory_space<hbm>> -> memref<8192x128xf32, #tpu.memory_space<hbm>>
    tpu.enqueue_indirect_dma source(%dma_start3A_61 : memref<8192x128xf32, #tpu.memory_space<hbm>>) target(%dma_start3A_56 : memref<64x128xf32, #tpu.memory_space<vmem>>) offsets(%dma_start3A_58 : memref<64xi32, #tpu.memory_space<vmem>>) semaphore(%arg7 : memref<!tpu.dma_semaphore, #tpu.memory_space<semaphore_mem>>)
    %dma_start3A_62 = arith.constant 6 : i32
    %dma_start3A_63 = arith.constant 0 : i32
    %dma_start3A_64 = arith.constant 0 : i32
    %dma_start3A_65 = tpu.memref_slice %arg6[%dma_start3A_62, %dma_start3A_63, %dma_start3A_64] : memref<8x64x128xf32, #tpu.memory_space<vmem>> -> memref<1x64x128xf32, #tpu.memory_space<vmem>>
    %dma_start3A_66 = tpu.memref_squeeze %dma_start3A_65 : memref<1x64x128xf32, #tpu.memory_space<vmem>> -> memref<64x128xf32, #tpu.memory_space<vmem>>
    %dma_start3A_67 = arith.constant 384 : i32
    %dma_start3A_68 = tpu.memref_slice %arg5[%dma_start3A_67] : memref<512xi32, #tpu.memory_space<vmem>> -> memref<64xi32, #tpu.memory_space<vmem>>
    %dma_start3A_69 = arith.constant 0 : i32
    %dma_start3A_70 = arith.constant 0 : i32
    %dma_start3A_71 = tpu.memref_slice %arg2[%dma_start3A_69, %dma_start3A_70] : memref<8192x128xf32, #tpu.memory_space<hbm>> -> memref<8192x128xf32, #tpu.memory_space<hbm>>
    tpu.enqueue_indirect_dma source(%dma_start3A_71 : memref<8192x128xf32, #tpu.memory_space<hbm>>) target(%dma_start3A_66 : memref<64x128xf32, #tpu.memory_space<vmem>>) offsets(%dma_start3A_68 : memref<64xi32, #tpu.memory_space<vmem>>) semaphore(%arg7 : memref<!tpu.dma_semaphore, #tpu.memory_space<semaphore_mem>>)
    %dma_start3A_72 = arith.constant 7 : i32
    %dma_start3A_73 = arith.constant 0 : i32
    %dma_start3A_74 = arith.constant 0 : i32
    %dma_start3A_75 = tpu.memref_slice %arg6[%dma_start3A_72, %dma_start3A_73, %dma_start3A_74] : memref<8x64x128xf32, #tpu.memory_space<vmem>> -> memref<1x64x128xf32, #tpu.memory_space<vmem>>
    %dma_start3A_76 = tpu.memref_squeeze %dma_start3A_75 : memref<1x64x128xf32, #tpu.memory_space<vmem>> -> memref<64x128xf32, #tpu.memory_space<vmem>>
    %dma_start3A_77 = arith.constant 448 : i32
    %dma_start3A_78 = tpu.memref_slice %arg5[%dma_start3A_77] : memref<512xi32, #tpu.memory_space<vmem>> -> memref<64xi32, #tpu.memory_space<vmem>>
    %dma_start3A_79 = arith.constant 0 : i32
    %dma_start3A_80 = arith.constant 0 : i32
    %dma_start3A_81 = tpu.memref_slice %arg2[%dma_start3A_79, %dma_start3A_80] : memref<8192x128xf32, #tpu.memory_space<hbm>> -> memref<8192x128xf32, #tpu.memory_space<hbm>>
    tpu.enqueue_indirect_dma source(%dma_start3A_81 : memref<8192x128xf32, #tpu.memory_space<hbm>>) target(%dma_start3A_76 : memref<64x128xf32, #tpu.memory_space<vmem>>) offsets(%dma_start3A_78 : memref<64xi32, #tpu.memory_space<vmem>>) semaphore(%arg7 : memref<!tpu.dma_semaphore, #tpu.memory_space<semaphore_mem>>)
    %dma_wait3A = arith.constant 0 : i32
    %dma_wait3A_82 = arith.constant 0 : i32
    %dma_wait3A_83 = arith.constant 0 : i32
    %dma_wait3A_84 = tpu.memref_slice %arg6[%dma_wait3A, %dma_wait3A_82, %dma_wait3A_83] : memref<8x64x128xf32, #tpu.memory_space<vmem>> -> memref<1x64x128xf32, #tpu.memory_space<vmem>>
    %dma_wait3A_85 = tpu.memref_squeeze %dma_wait3A_84 : memref<1x64x128xf32, #tpu.memory_space<vmem>> -> memref<64x128xf32, #tpu.memory_space<vmem>>
    %dma_wait3A_86 = arith.constant 0 : i32
    %dma_wait3A_87 = tpu.memref_slice %arg5[%dma_wait3A_86] : memref<512xi32, #tpu.memory_space<vmem>> -> memref<64xi32, #tpu.memory_space<vmem>>
    %dma_wait3A_88 = arith.constant 0 : i32
    %dma_wait3A_89 = arith.constant 0 : i32
    %dma_wait3A_90 = tpu.memref_slice %arg2[%dma_wait3A_88, %dma_wait3A_89] : memref<8192x128xf32, #tpu.memory_space<hbm>> -> memref<8192x128xf32, #tpu.memory_space<hbm>>
    tpu.wait_indirect_dma semaphore(%arg7 : memref<!tpu.dma_semaphore, #tpu.memory_space<semaphore_mem>>) src(%dma_wait3A_90 : memref<8192x128xf32, #tpu.memory_space<hbm>>) dst(%dma_wait3A_85 : memref<64x128xf32, #tpu.memory_space<vmem>>)
    %add3A_91 = arith.constant 0 : i32
    %add3A_92 = arith.addi %mul3A_2, %add3A_91 : i32
    %run_scoped3A = arith.constant 0 : i32
    "tpu.region"() ({
      %run_scoped3A_184 = tpu.sem_alloc : memref<!tpu.dma_semaphore, #tpu.memory_space<semaphore_mem>>
      %dma_start3A_185 = arith.constant 0 : i32
      %dma_start3A_186 = arith.constant 0 : i32
      %dma_start3A_187 = tpu.memref_slice %arg6[%run_scoped3A, %dma_start3A_185, %dma_start3A_186] : memref<8x64x128xf32, #tpu.memory_space<vmem>> -> memref<1x64x128xf32, #tpu.memory_space<vmem>>
      %dma_start3A_188 = tpu.memref_squeeze %dma_start3A_187 : memref<1x64x128xf32, #tpu.memory_space<vmem>> -> memref<64x128xf32, #tpu.memory_space<vmem>>
      %dma_start3A_189 = arith.constant 0 : i32
      %dma_start3A_190 = tpu.memref_slice %arg4[%add3A_92, %dma_start3A_189] : memref<16384x128xf32, #tpu.memory_space<hbm>> -> memref<64x128xf32, #tpu.memory_space<hbm>>
      %dma_start3A_191 = arith.constant 0 : i32
      %dma_start3A_192 = tpu.memref_slice %arg4[%add3A_92, %dma_start3A_191] : memref<16384x128xf32, #tpu.memory_space<hbm>> -> memref<64x128xf32, #tpu.memory_space<hbm>>
      %dma_start3A_193 = arith.constant 0 : i32
      %dma_start3A_194 = arith.constant 0 : i32
      %dma_start3A_195 = tpu.memref_slice %arg6[%run_scoped3A, %dma_start3A_193, %dma_start3A_194] : memref<8x64x128xf32, #tpu.memory_space<vmem>> -> memref<1x64x128xf32, #tpu.memory_space<vmem>>
      %dma_start3A_196 = tpu.memref_squeeze %dma_start3A_195 : memref<1x64x128xf32, #tpu.memory_space<vmem>> -> memref<64x128xf32, #tpu.memory_space<vmem>>
      tpu.enqueue_dma source(%dma_start3A_196 : memref<64x128xf32, #tpu.memory_space<vmem>>) target(%dma_start3A_192 : memref<64x128xf32, #tpu.memory_space<hbm>>) target_semaphore(%run_scoped3A_184 : memref<!tpu.dma_semaphore, #tpu.memory_space<semaphore_mem>>)
      %dma_wait3A_197 = arith.constant 0 : i32
      %dma_wait3A_198 = arith.constant 0 : i32
      %dma_wait3A_199 = tpu.memref_slice %arg6[%run_scoped3A, %dma_wait3A_197, %dma_wait3A_198] : memref<8x64x128xf32, #tpu.memory_space<vmem>> -> memref<1x64x128xf32, #tpu.memory_space<vmem>>
      %dma_wait3A_200 = tpu.memref_squeeze %dma_wait3A_199 : memref<1x64x128xf32, #tpu.memory_space<vmem>> -> memref<64x128xf32, #tpu.memory_space<vmem>>
      %dma_wait3A_201 = arith.constant 0 : i32
      %dma_wait3A_202 = tpu.memref_slice %arg4[%add3A_92, %dma_wait3A_201] : memref<16384x128xf32, #tpu.memory_space<hbm>> -> memref<64x128xf32, #tpu.memory_space<hbm>>
      %dma_wait3A_203 = arith.constant 0 : i32
      %dma_wait3A_204 = tpu.memref_slice %arg4[%add3A_92, %dma_wait3A_203] : memref<16384x128xf32, #tpu.memory_space<hbm>> -> memref<64x128xf32, #tpu.memory_space<hbm>>
      %dma_wait3A_205 = arith.constant 0 : i32
      %dma_wait3A_206 = arith.constant 0 : i32
      %dma_wait3A_207 = tpu.memref_slice %arg6[%run_scoped3A, %dma_wait3A_205, %dma_wait3A_206] : memref<8x64x128xf32, #tpu.memory_space<vmem>> -> memref<1x64x128xf32, #tpu.memory_space<vmem>>
      %dma_wait3A_208 = tpu.memref_squeeze %dma_wait3A_207 : memref<1x64x128xf32, #tpu.memory_space<vmem>> -> memref<64x128xf32, #tpu.memory_space<vmem>>
      tpu.wait_dma2 semaphore(%run_scoped3A_184 : memref<!tpu.dma_semaphore, #tpu.memory_space<semaphore_mem>>) src(%dma_wait3A_208 : memref<64x128xf32, #tpu.memory_space<vmem>>) dst(%dma_wait3A_204 : memref<64x128xf32, #tpu.memory_space<hbm>>)
      tpu.yield
    }) : () -> ()
    %dma_wait3A_93 = arith.constant 1 : i32
    %dma_wait3A_94 = arith.constant 0 : i32
    %dma_wait3A_95 = arith.constant 0 : i32
    %dma_wait3A_96 = tpu.memref_slice %arg6[%dma_wait3A_93, %dma_wait3A_94, %dma_wait3A_95] : memref<8x64x128xf32, #tpu.memory_space<vmem>> -> memref<1x64x128xf32, #tpu.memory_space<vmem>>
    %dma_wait3A_97 = tpu.memref_squeeze %dma_wait3A_96 : memref<1x64x128xf32, #tpu.memory_space<vmem>> -> memref<64x128xf32, #tpu.memory_space<vmem>>
    %dma_wait3A_98 = arith.constant 64 : i32
    %dma_wait3A_99 = tpu.memref_slice %arg5[%dma_wait3A_98] : memref<512xi32, #tpu.memory_space<vmem>> -> memref<64xi32, #tpu.memory_space<vmem>>
    %dma_wait3A_100 = arith.constant 0 : i32
    %dma_wait3A_101 = arith.constant 0 : i32
    %dma_wait3A_102 = tpu.memref_slice %arg2[%dma_wait3A_100, %dma_wait3A_101] : memref<8192x128xf32, #tpu.memory_space<hbm>> -> memref<8192x128xf32, #tpu.memory_space<hbm>>
    tpu.wait_indirect_dma semaphore(%arg7 : memref<!tpu.dma_semaphore, #tpu.memory_space<semaphore_mem>>) src(%dma_wait3A_102 : memref<8192x128xf32, #tpu.memory_space<hbm>>) dst(%dma_wait3A_97 : memref<64x128xf32, #tpu.memory_space<vmem>>)
    %add3A_103 = arith.constant 64 : i32
    %add3A_104 = arith.addi %mul3A_2, %add3A_103 : i32
    %run_scoped3A_105 = arith.constant 1 : i32
    "tpu.region"() ({
      %run_scoped3A_184 = tpu.sem_alloc : memref<!tpu.dma_semaphore, #tpu.memory_space<semaphore_mem>>
      %dma_start3A_185 = arith.constant 0 : i32
      %dma_start3A_186 = arith.constant 0 : i32
      %dma_start3A_187 = tpu.memref_slice %arg6[%run_scoped3A_105, %dma_start3A_185, %dma_start3A_186] : memref<8x64x128xf32, #tpu.memory_space<vmem>> -> memref<1x64x128xf32, #tpu.memory_space<vmem>>
      %dma_start3A_188 = tpu.memref_squeeze %dma_start3A_187 : memref<1x64x128xf32, #tpu.memory_space<vmem>> -> memref<64x128xf32, #tpu.memory_space<vmem>>
      %dma_start3A_189 = arith.constant 0 : i32
      %dma_start3A_190 = tpu.memref_slice %arg4[%add3A_104, %dma_start3A_189] : memref<16384x128xf32, #tpu.memory_space<hbm>> -> memref<64x128xf32, #tpu.memory_space<hbm>>
      %dma_start3A_191 = arith.constant 0 : i32
      %dma_start3A_192 = tpu.memref_slice %arg4[%add3A_104, %dma_start3A_191] : memref<16384x128xf32, #tpu.memory_space<hbm>> -> memref<64x128xf32, #tpu.memory_space<hbm>>
      %dma_start3A_193 = arith.constant 0 : i32
      %dma_start3A_194 = arith.constant 0 : i32
      %dma_start3A_195 = tpu.memref_slice %arg6[%run_scoped3A_105, %dma_start3A_193, %dma_start3A_194] : memref<8x64x128xf32, #tpu.memory_space<vmem>> -> memref<1x64x128xf32, #tpu.memory_space<vmem>>
      %dma_start3A_196 = tpu.memref_squeeze %dma_start3A_195 : memref<1x64x128xf32, #tpu.memory_space<vmem>> -> memref<64x128xf32, #tpu.memory_space<vmem>>
      tpu.enqueue_dma source(%dma_start3A_196 : memref<64x128xf32, #tpu.memory_space<vmem>>) target(%dma_start3A_192 : memref<64x128xf32, #tpu.memory_space<hbm>>) target_semaphore(%run_scoped3A_184 : memref<!tpu.dma_semaphore, #tpu.memory_space<semaphore_mem>>)
      %dma_wait3A_197 = arith.constant 0 : i32
      %dma_wait3A_198 = arith.constant 0 : i32
      %dma_wait3A_199 = tpu.memref_slice %arg6[%run_scoped3A_105, %dma_wait3A_197, %dma_wait3A_198] : memref<8x64x128xf32, #tpu.memory_space<vmem>> -> memref<1x64x128xf32, #tpu.memory_space<vmem>>
      %dma_wait3A_200 = tpu.memref_squeeze %dma_wait3A_199 : memref<1x64x128xf32, #tpu.memory_space<vmem>> -> memref<64x128xf32, #tpu.memory_space<vmem>>
      %dma_wait3A_201 = arith.constant 0 : i32
      %dma_wait3A_202 = tpu.memref_slice %arg4[%add3A_104, %dma_wait3A_201] : memref<16384x128xf32, #tpu.memory_space<hbm>> -> memref<64x128xf32, #tpu.memory_space<hbm>>
      %dma_wait3A_203 = arith.constant 0 : i32
      %dma_wait3A_204 = tpu.memref_slice %arg4[%add3A_104, %dma_wait3A_203] : memref<16384x128xf32, #tpu.memory_space<hbm>> -> memref<64x128xf32, #tpu.memory_space<hbm>>
      %dma_wait3A_205 = arith.constant 0 : i32
      %dma_wait3A_206 = arith.constant 0 : i32
      %dma_wait3A_207 = tpu.memref_slice %arg6[%run_scoped3A_105, %dma_wait3A_205, %dma_wait3A_206] : memref<8x64x128xf32, #tpu.memory_space<vmem>> -> memref<1x64x128xf32, #tpu.memory_space<vmem>>
      %dma_wait3A_208 = tpu.memref_squeeze %dma_wait3A_207 : memref<1x64x128xf32, #tpu.memory_space<vmem>> -> memref<64x128xf32, #tpu.memory_space<vmem>>
      tpu.wait_dma2 semaphore(%run_scoped3A_184 : memref<!tpu.dma_semaphore, #tpu.memory_space<semaphore_mem>>) src(%dma_wait3A_208 : memref<64x128xf32, #tpu.memory_space<vmem>>) dst(%dma_wait3A_204 : memref<64x128xf32, #tpu.memory_space<hbm>>)
      tpu.yield
    }) : () -> ()
    %dma_wait3A_106 = arith.constant 2 : i32
    %dma_wait3A_107 = arith.constant 0 : i32
    %dma_wait3A_108 = arith.constant 0 : i32
    %dma_wait3A_109 = tpu.memref_slice %arg6[%dma_wait3A_106, %dma_wait3A_107, %dma_wait3A_108] : memref<8x64x128xf32, #tpu.memory_space<vmem>> -> memref<1x64x128xf32, #tpu.memory_space<vmem>>
    %dma_wait3A_110 = tpu.memref_squeeze %dma_wait3A_109 : memref<1x64x128xf32, #tpu.memory_space<vmem>> -> memref<64x128xf32, #tpu.memory_space<vmem>>
    %dma_wait3A_111 = arith.constant 128 : i32
    %dma_wait3A_112 = tpu.memref_slice %arg5[%dma_wait3A_111] : memref<512xi32, #tpu.memory_space<vmem>> -> memref<64xi32, #tpu.memory_space<vmem>>
    %dma_wait3A_113 = arith.constant 0 : i32
    %dma_wait3A_114 = arith.constant 0 : i32
    %dma_wait3A_115 = tpu.memref_slice %arg2[%dma_wait3A_113, %dma_wait3A_114] : memref<8192x128xf32, #tpu.memory_space<hbm>> -> memref<8192x128xf32, #tpu.memory_space<hbm>>
    tpu.wait_indirect_dma semaphore(%arg7 : memref<!tpu.dma_semaphore, #tpu.memory_space<semaphore_mem>>) src(%dma_wait3A_115 : memref<8192x128xf32, #tpu.memory_space<hbm>>) dst(%dma_wait3A_110 : memref<64x128xf32, #tpu.memory_space<vmem>>)
    %add3A_116 = arith.constant 128 : i32
    %add3A_117 = arith.addi %mul3A_2, %add3A_116 : i32
    %run_scoped3A_118 = arith.constant 2 : i32
    "tpu.region"() ({
      %run_scoped3A_184 = tpu.sem_alloc : memref<!tpu.dma_semaphore, #tpu.memory_space<semaphore_mem>>
      %dma_start3A_185 = arith.constant 0 : i32
      %dma_start3A_186 = arith.constant 0 : i32
      %dma_start3A_187 = tpu.memref_slice %arg6[%run_scoped3A_118, %dma_start3A_185, %dma_start3A_186] : memref<8x64x128xf32, #tpu.memory_space<vmem>> -> memref<1x64x128xf32, #tpu.memory_space<vmem>>
      %dma_start3A_188 = tpu.memref_squeeze %dma_start3A_187 : memref<1x64x128xf32, #tpu.memory_space<vmem>> -> memref<64x128xf32, #tpu.memory_space<vmem>>
      %dma_start3A_189 = arith.constant 0 : i32
      %dma_start3A_190 = tpu.memref_slice %arg4[%add3A_117, %dma_start3A_189] : memref<16384x128xf32, #tpu.memory_space<hbm>> -> memref<64x128xf32, #tpu.memory_space<hbm>>
      %dma_start3A_191 = arith.constant 0 : i32
      %dma_start3A_192 = tpu.memref_slice %arg4[%add3A_117, %dma_start3A_191] : memref<16384x128xf32, #tpu.memory_space<hbm>> -> memref<64x128xf32, #tpu.memory_space<hbm>>
      %dma_start3A_193 = arith.constant 0 : i32
      %dma_start3A_194 = arith.constant 0 : i32
      %dma_start3A_195 = tpu.memref_slice %arg6[%run_scoped3A_118, %dma_start3A_193, %dma_start3A_194] : memref<8x64x128xf32, #tpu.memory_space<vmem>> -> memref<1x64x128xf32, #tpu.memory_space<vmem>>
      %dma_start3A_196 = tpu.memref_squeeze %dma_start3A_195 : memref<1x64x128xf32, #tpu.memory_space<vmem>> -> memref<64x128xf32, #tpu.memory_space<vmem>>
      tpu.enqueue_dma source(%dma_start3A_196 : memref<64x128xf32, #tpu.memory_space<vmem>>) target(%dma_start3A_192 : memref<64x128xf32, #tpu.memory_space<hbm>>) target_semaphore(%run_scoped3A_184 : memref<!tpu.dma_semaphore, #tpu.memory_space<semaphore_mem>>)
      %dma_wait3A_197 = arith.constant 0 : i32
      %dma_wait3A_198 = arith.constant 0 : i32
      %dma_wait3A_199 = tpu.memref_slice %arg6[%run_scoped3A_118, %dma_wait3A_197, %dma_wait3A_198] : memref<8x64x128xf32, #tpu.memory_space<vmem>> -> memref<1x64x128xf32, #tpu.memory_space<vmem>>
      %dma_wait3A_200 = tpu.memref_squeeze %dma_wait3A_199 : memref<1x64x128xf32, #tpu.memory_space<vmem>> -> memref<64x128xf32, #tpu.memory_space<vmem>>
      %dma_wait3A_201 = arith.constant 0 : i32
      %dma_wait3A_202 = tpu.memref_slice %arg4[%add3A_117, %dma_wait3A_201] : memref<16384x128xf32, #tpu.memory_space<hbm>> -> memref<64x128xf32, #tpu.memory_space<hbm>>
      %dma_wait3A_203 = arith.constant 0 : i32
      %dma_wait3A_204 = tpu.memref_slice %arg4[%add3A_117, %dma_wait3A_203] : memref<16384x128xf32, #tpu.memory_space<hbm>> -> memref<64x128xf32, #tpu.memory_space<hbm>>
      %dma_wait3A_205 = arith.constant 0 : i32
      %dma_wait3A_206 = arith.constant 0 : i32
      %dma_wait3A_207 = tpu.memref_slice %arg6[%run_scoped3A_118, %dma_wait3A_205, %dma_wait3A_206] : memref<8x64x128xf32, #tpu.memory_space<vmem>> -> memref<1x64x128xf32, #tpu.memory_space<vmem>>
      %dma_wait3A_208 = tpu.memref_squeeze %dma_wait3A_207 : memref<1x64x128xf32, #tpu.memory_space<vmem>> -> memref<64x128xf32, #tpu.memory_space<vmem>>
      tpu.wait_dma2 semaphore(%run_scoped3A_184 : memref<!tpu.dma_semaphore, #tpu.memory_space<semaphore_mem>>) src(%dma_wait3A_208 : memref<64x128xf32, #tpu.memory_space<vmem>>) dst(%dma_wait3A_204 : memref<64x128xf32, #tpu.memory_space<hbm>>)
      tpu.yield
    }) : () -> ()
    %dma_wait3A_119 = arith.constant 3 : i32
    %dma_wait3A_120 = arith.constant 0 : i32
    %dma_wait3A_121 = arith.constant 0 : i32
    %dma_wait3A_122 = tpu.memref_slice %arg6[%dma_wait3A_119, %dma_wait3A_120, %dma_wait3A_121] : memref<8x64x128xf32, #tpu.memory_space<vmem>> -> memref<1x64x128xf32, #tpu.memory_space<vmem>>
    %dma_wait3A_123 = tpu.memref_squeeze %dma_wait3A_122 : memref<1x64x128xf32, #tpu.memory_space<vmem>> -> memref<64x128xf32, #tpu.memory_space<vmem>>
    %dma_wait3A_124 = arith.constant 192 : i32
    %dma_wait3A_125 = tpu.memref_slice %arg5[%dma_wait3A_124] : memref<512xi32, #tpu.memory_space<vmem>> -> memref<64xi32, #tpu.memory_space<vmem>>
    %dma_wait3A_126 = arith.constant 0 : i32
    %dma_wait3A_127 = arith.constant 0 : i32
    %dma_wait3A_128 = tpu.memref_slice %arg2[%dma_wait3A_126, %dma_wait3A_127] : memref<8192x128xf32, #tpu.memory_space<hbm>> -> memref<8192x128xf32, #tpu.memory_space<hbm>>
    tpu.wait_indirect_dma semaphore(%arg7 : memref<!tpu.dma_semaphore, #tpu.memory_space<semaphore_mem>>) src(%dma_wait3A_128 : memref<8192x128xf32, #tpu.memory_space<hbm>>) dst(%dma_wait3A_123 : memref<64x128xf32, #tpu.memory_space<vmem>>)
    %add3A_129 = arith.constant 192 : i32
    %add3A_130 = arith.addi %mul3A_2, %add3A_129 : i32
    %run_scoped3A_131 = arith.constant 3 : i32
    "tpu.region"() ({
      %run_scoped3A_184 = tpu.sem_alloc : memref<!tpu.dma_semaphore, #tpu.memory_space<semaphore_mem>>
      %dma_start3A_185 = arith.constant 0 : i32
      %dma_start3A_186 = arith.constant 0 : i32
      %dma_start3A_187 = tpu.memref_slice %arg6[%run_scoped3A_131, %dma_start3A_185, %dma_start3A_186] : memref<8x64x128xf32, #tpu.memory_space<vmem>> -> memref<1x64x128xf32, #tpu.memory_space<vmem>>
      %dma_start3A_188 = tpu.memref_squeeze %dma_start3A_187 : memref<1x64x128xf32, #tpu.memory_space<vmem>> -> memref<64x128xf32, #tpu.memory_space<vmem>>
      %dma_start3A_189 = arith.constant 0 : i32
      %dma_start3A_190 = tpu.memref_slice %arg4[%add3A_130, %dma_start3A_189] : memref<16384x128xf32, #tpu.memory_space<hbm>> -> memref<64x128xf32, #tpu.memory_space<hbm>>
      %dma_start3A_191 = arith.constant 0 : i32
      %dma_start3A_192 = tpu.memref_slice %arg4[%add3A_130, %dma_start3A_191] : memref<16384x128xf32, #tpu.memory_space<hbm>> -> memref<64x128xf32, #tpu.memory_space<hbm>>
      %dma_start3A_193 = arith.constant 0 : i32
      %dma_start3A_194 = arith.constant 0 : i32
      %dma_start3A_195 = tpu.memref_slice %arg6[%run_scoped3A_131, %dma_start3A_193, %dma_start3A_194] : memref<8x64x128xf32, #tpu.memory_space<vmem>> -> memref<1x64x128xf32, #tpu.memory_space<vmem>>
      %dma_start3A_196 = tpu.memref_squeeze %dma_start3A_195 : memref<1x64x128xf32, #tpu.memory_space<vmem>> -> memref<64x128xf32, #tpu.memory_space<vmem>>
      tpu.enqueue_dma source(%dma_start3A_196 : memref<64x128xf32, #tpu.memory_space<vmem>>) target(%dma_start3A_192 : memref<64x128xf32, #tpu.memory_space<hbm>>) target_semaphore(%run_scoped3A_184 : memref<!tpu.dma_semaphore, #tpu.memory_space<semaphore_mem>>)
      %dma_wait3A_197 = arith.constant 0 : i32
      %dma_wait3A_198 = arith.constant 0 : i32
      %dma_wait3A_199 = tpu.memref_slice %arg6[%run_scoped3A_131, %dma_wait3A_197, %dma_wait3A_198] : memref<8x64x128xf32, #tpu.memory_space<vmem>> -> memref<1x64x128xf32, #tpu.memory_space<vmem>>
      %dma_wait3A_200 = tpu.memref_squeeze %dma_wait3A_199 : memref<1x64x128xf32, #tpu.memory_space<vmem>> -> memref<64x128xf32, #tpu.memory_space<vmem>>
      %dma_wait3A_201 = arith.constant 0 : i32
      %dma_wait3A_202 = tpu.memref_slice %arg4[%add3A_130, %dma_wait3A_201] : memref<16384x128xf32, #tpu.memory_space<hbm>> -> memref<64x128xf32, #tpu.memory_space<hbm>>
      %dma_wait3A_203 = arith.constant 0 : i32
      %dma_wait3A_204 = tpu.memref_slice %arg4[%add3A_130, %dma_wait3A_203] : memref<16384x128xf32, #tpu.memory_space<hbm>> -> memref<64x128xf32, #tpu.memory_space<hbm>>
      %dma_wait3A_205 = arith.constant 0 : i32
      %dma_wait3A_206 = arith.constant 0 : i32
      %dma_wait3A_207 = tpu.memref_slice %arg6[%run_scoped3A_131, %dma_wait3A_205, %dma_wait3A_206] : memref<8x64x128xf32, #tpu.memory_space<vmem>> -> memref<1x64x128xf32, #tpu.memory_space<vmem>>
      %dma_wait3A_208 = tpu.memref_squeeze %dma_wait3A_207 : memref<1x64x128xf32, #tpu.memory_space<vmem>> -> memref<64x128xf32, #tpu.memory_space<vmem>>
      tpu.wait_dma2 semaphore(%run_scoped3A_184 : memref<!tpu.dma_semaphore, #tpu.memory_space<semaphore_mem>>) src(%dma_wait3A_208 : memref<64x128xf32, #tpu.memory_space<vmem>>) dst(%dma_wait3A_204 : memref<64x128xf32, #tpu.memory_space<hbm>>)
      tpu.yield
    }) : () -> ()
    %dma_wait3A_132 = arith.constant 4 : i32
    %dma_wait3A_133 = arith.constant 0 : i32
    %dma_wait3A_134 = arith.constant 0 : i32
    %dma_wait3A_135 = tpu.memref_slice %arg6[%dma_wait3A_132, %dma_wait3A_133, %dma_wait3A_134] : memref<8x64x128xf32, #tpu.memory_space<vmem>> -> memref<1x64x128xf32, #tpu.memory_space<vmem>>
    %dma_wait3A_136 = tpu.memref_squeeze %dma_wait3A_135 : memref<1x64x128xf32, #tpu.memory_space<vmem>> -> memref<64x128xf32, #tpu.memory_space<vmem>>
    %dma_wait3A_137 = arith.constant 256 : i32
    %dma_wait3A_138 = tpu.memref_slice %arg5[%dma_wait3A_137] : memref<512xi32, #tpu.memory_space<vmem>> -> memref<64xi32, #tpu.memory_space<vmem>>
    %dma_wait3A_139 = arith.constant 0 : i32
    %dma_wait3A_140 = arith.constant 0 : i32
    %dma_wait3A_141 = tpu.memref_slice %arg2[%dma_wait3A_139, %dma_wait3A_140] : memref<8192x128xf32, #tpu.memory_space<hbm>> -> memref<8192x128xf32, #tpu.memory_space<hbm>>
    tpu.wait_indirect_dma semaphore(%arg7 : memref<!tpu.dma_semaphore, #tpu.memory_space<semaphore_mem>>) src(%dma_wait3A_141 : memref<8192x128xf32, #tpu.memory_space<hbm>>) dst(%dma_wait3A_136 : memref<64x128xf32, #tpu.memory_space<vmem>>)
    %add3A_142 = arith.constant 256 : i32
    %add3A_143 = arith.addi %mul3A_2, %add3A_142 : i32
    %run_scoped3A_144 = arith.constant 4 : i32
    "tpu.region"() ({
      %run_scoped3A_184 = tpu.sem_alloc : memref<!tpu.dma_semaphore, #tpu.memory_space<semaphore_mem>>
      %dma_start3A_185 = arith.constant 0 : i32
      %dma_start3A_186 = arith.constant 0 : i32
      %dma_start3A_187 = tpu.memref_slice %arg6[%run_scoped3A_144, %dma_start3A_185, %dma_start3A_186] : memref<8x64x128xf32, #tpu.memory_space<vmem>> -> memref<1x64x128xf32, #tpu.memory_space<vmem>>
      %dma_start3A_188 = tpu.memref_squeeze %dma_start3A_187 : memref<1x64x128xf32, #tpu.memory_space<vmem>> -> memref<64x128xf32, #tpu.memory_space<vmem>>
      %dma_start3A_189 = arith.constant 0 : i32
      %dma_start3A_190 = tpu.memref_slice %arg4[%add3A_143, %dma_start3A_189] : memref<16384x128xf32, #tpu.memory_space<hbm>> -> memref<64x128xf32, #tpu.memory_space<hbm>>
      %dma_start3A_191 = arith.constant 0 : i32
      %dma_start3A_192 = tpu.memref_slice %arg4[%add3A_143, %dma_start3A_191] : memref<16384x128xf32, #tpu.memory_space<hbm>> -> memref<64x128xf32, #tpu.memory_space<hbm>>
      %dma_start3A_193 = arith.constant 0 : i32
      %dma_start3A_194 = arith.constant 0 : i32
      %dma_start3A_195 = tpu.memref_slice %arg6[%run_scoped3A_144, %dma_start3A_193, %dma_start3A_194] : memref<8x64x128xf32, #tpu.memory_space<vmem>> -> memref<1x64x128xf32, #tpu.memory_space<vmem>>
      %dma_start3A_196 = tpu.memref_squeeze %dma_start3A_195 : memref<1x64x128xf32, #tpu.memory_space<vmem>> -> memref<64x128xf32, #tpu.memory_space<vmem>>
      tpu.enqueue_dma source(%dma_start3A_196 : memref<64x128xf32, #tpu.memory_space<vmem>>) target(%dma_start3A_192 : memref<64x128xf32, #tpu.memory_space<hbm>>) target_semaphore(%run_scoped3A_184 : memref<!tpu.dma_semaphore, #tpu.memory_space<semaphore_mem>>)
      %dma_wait3A_197 = arith.constant 0 : i32
      %dma_wait3A_198 = arith.constant 0 : i32
      %dma_wait3A_199 = tpu.memref_slice %arg6[%run_scoped3A_144, %dma_wait3A_197, %dma_wait3A_198] : memref<8x64x128xf32, #tpu.memory_space<vmem>> -> memref<1x64x128xf32, #tpu.memory_space<vmem>>
      %dma_wait3A_200 = tpu.memref_squeeze %dma_wait3A_199 : memref<1x64x128xf32, #tpu.memory_space<vmem>> -> memref<64x128xf32, #tpu.memory_space<vmem>>
      %dma_wait3A_201 = arith.constant 0 : i32
      %dma_wait3A_202 = tpu.memref_slice %arg4[%add3A_143, %dma_wait3A_201] : memref<16384x128xf32, #tpu.memory_space<hbm>> -> memref<64x128xf32, #tpu.memory_space<hbm>>
      %dma_wait3A_203 = arith.constant 0 : i32
      %dma_wait3A_204 = tpu.memref_slice %arg4[%add3A_143, %dma_wait3A_203] : memref<16384x128xf32, #tpu.memory_space<hbm>> -> memref<64x128xf32, #tpu.memory_space<hbm>>
      %dma_wait3A_205 = arith.constant 0 : i32
      %dma_wait3A_206 = arith.constant 0 : i32
      %dma_wait3A_207 = tpu.memref_slice %arg6[%run_scoped3A_144, %dma_wait3A_205, %dma_wait3A_206] : memref<8x64x128xf32, #tpu.memory_space<vmem>> -> memref<1x64x128xf32, #tpu.memory_space<vmem>>
      %dma_wait3A_208 = tpu.memref_squeeze %dma_wait3A_207 : memref<1x64x128xf32, #tpu.memory_space<vmem>> -> memref<64x128xf32, #tpu.memory_space<vmem>>
      tpu.wait_dma2 semaphore(%run_scoped3A_184 : memref<!tpu.dma_semaphore, #tpu.memory_space<semaphore_mem>>) src(%dma_wait3A_208 : memref<64x128xf32, #tpu.memory_space<vmem>>) dst(%dma_wait3A_204 : memref<64x128xf32, #tpu.memory_space<hbm>>)
      tpu.yield
    }) : () -> ()
    %dma_wait3A_145 = arith.constant 5 : i32
    %dma_wait3A_146 = arith.constant 0 : i32
    %dma_wait3A_147 = arith.constant 0 : i32
    %dma_wait3A_148 = tpu.memref_slice %arg6[%dma_wait3A_145, %dma_wait3A_146, %dma_wait3A_147] : memref<8x64x128xf32, #tpu.memory_space<vmem>> -> memref<1x64x128xf32, #tpu.memory_space<vmem>>
    %dma_wait3A_149 = tpu.memref_squeeze %dma_wait3A_148 : memref<1x64x128xf32, #tpu.memory_space<vmem>> -> memref<64x128xf32, #tpu.memory_space<vmem>>
    %dma_wait3A_150 = arith.constant 320 : i32
    %dma_wait3A_151 = tpu.memref_slice %arg5[%dma_wait3A_150] : memref<512xi32, #tpu.memory_space<vmem>> -> memref<64xi32, #tpu.memory_space<vmem>>
    %dma_wait3A_152 = arith.constant 0 : i32
    %dma_wait3A_153 = arith.constant 0 : i32
    %dma_wait3A_154 = tpu.memref_slice %arg2[%dma_wait3A_152, %dma_wait3A_153] : memref<8192x128xf32, #tpu.memory_space<hbm>> -> memref<8192x128xf32, #tpu.memory_space<hbm>>
    tpu.wait_indirect_dma semaphore(%arg7 : memref<!tpu.dma_semaphore, #tpu.memory_space<semaphore_mem>>) src(%dma_wait3A_154 : memref<8192x128xf32, #tpu.memory_space<hbm>>) dst(%dma_wait3A_149 : memref<64x128xf32, #tpu.memory_space<vmem>>)
    %add3A_155 = arith.constant 320 : i32
    %add3A_156 = arith.addi %mul3A_2, %add3A_155 : i32
    %run_scoped3A_157 = arith.constant 5 : i32
    "tpu.region"() ({
      %run_scoped3A_184 = tpu.sem_alloc : memref<!tpu.dma_semaphore, #tpu.memory_space<semaphore_mem>>
      %dma_start3A_185 = arith.constant 0 : i32
      %dma_start3A_186 = arith.constant 0 : i32
      %dma_start3A_187 = tpu.memref_slice %arg6[%run_scoped3A_157, %dma_start3A_185, %dma_start3A_186] : memref<8x64x128xf32, #tpu.memory_space<vmem>> -> memref<1x64x128xf32, #tpu.memory_space<vmem>>
      %dma_start3A_188 = tpu.memref_squeeze %dma_start3A_187 : memref<1x64x128xf32, #tpu.memory_space<vmem>> -> memref<64x128xf32, #tpu.memory_space<vmem>>
      %dma_start3A_189 = arith.constant 0 : i32
      %dma_start3A_190 = tpu.memref_slice %arg4[%add3A_156, %dma_start3A_189] : memref<16384x128xf32, #tpu.memory_space<hbm>> -> memref<64x128xf32, #tpu.memory_space<hbm>>
      %dma_start3A_191 = arith.constant 0 : i32
      %dma_start3A_192 = tpu.memref_slice %arg4[%add3A_156, %dma_start3A_191] : memref<16384x128xf32, #tpu.memory_space<hbm>> -> memref<64x128xf32, #tpu.memory_space<hbm>>
      %dma_start3A_193 = arith.constant 0 : i32
      %dma_start3A_194 = arith.constant 0 : i32
      %dma_start3A_195 = tpu.memref_slice %arg6[%run_scoped3A_157, %dma_start3A_193, %dma_start3A_194] : memref<8x64x128xf32, #tpu.memory_space<vmem>> -> memref<1x64x128xf32, #tpu.memory_space<vmem>>
      %dma_start3A_196 = tpu.memref_squeeze %dma_start3A_195 : memref<1x64x128xf32, #tpu.memory_space<vmem>> -> memref<64x128xf32, #tpu.memory_space<vmem>>
      tpu.enqueue_dma source(%dma_start3A_196 : memref<64x128xf32, #tpu.memory_space<vmem>>) target(%dma_start3A_192 : memref<64x128xf32, #tpu.memory_space<hbm>>) target_semaphore(%run_scoped3A_184 : memref<!tpu.dma_semaphore, #tpu.memory_space<semaphore_mem>>)
      %dma_wait3A_197 = arith.constant 0 : i32
      %dma_wait3A_198 = arith.constant 0 : i32
      %dma_wait3A_199 = tpu.memref_slice %arg6[%run_scoped3A_157, %dma_wait3A_197, %dma_wait3A_198] : memref<8x64x128xf32, #tpu.memory_space<vmem>> -> memref<1x64x128xf32, #tpu.memory_space<vmem>>
      %dma_wait3A_200 = tpu.memref_squeeze %dma_wait3A_199 : memref<1x64x128xf32, #tpu.memory_space<vmem>> -> memref<64x128xf32, #tpu.memory_space<vmem>>
      %dma_wait3A_201 = arith.constant 0 : i32
      %dma_wait3A_202 = tpu.memref_slice %arg4[%add3A_156, %dma_wait3A_201] : memref<16384x128xf32, #tpu.memory_space<hbm>> -> memref<64x128xf32, #tpu.memory_space<hbm>>
      %dma_wait3A_203 = arith.constant 0 : i32
      %dma_wait3A_204 = tpu.memref_slice %arg4[%add3A_156, %dma_wait3A_203] : memref<16384x128xf32, #tpu.memory_space<hbm>> -> memref<64x128xf32, #tpu.memory_space<hbm>>
      %dma_wait3A_205 = arith.constant 0 : i32
      %dma_wait3A_206 = arith.constant 0 : i32
      %dma_wait3A_207 = tpu.memref_slice %arg6[%run_scoped3A_157, %dma_wait3A_205, %dma_wait3A_206] : memref<8x64x128xf32, #tpu.memory_space<vmem>> -> memref<1x64x128xf32, #tpu.memory_space<vmem>>
      %dma_wait3A_208 = tpu.memref_squeeze %dma_wait3A_207 : memref<1x64x128xf32, #tpu.memory_space<vmem>> -> memref<64x128xf32, #tpu.memory_space<vmem>>
      tpu.wait_dma2 semaphore(%run_scoped3A_184 : memref<!tpu.dma_semaphore, #tpu.memory_space<semaphore_mem>>) src(%dma_wait3A_208 : memref<64x128xf32, #tpu.memory_space<vmem>>) dst(%dma_wait3A_204 : memref<64x128xf32, #tpu.memory_space<hbm>>)
      tpu.yield
    }) : () -> ()
    %dma_wait3A_158 = arith.constant 6 : i32
    %dma_wait3A_159 = arith.constant 0 : i32
    %dma_wait3A_160 = arith.constant 0 : i32
    %dma_wait3A_161 = tpu.memref_slice %arg6[%dma_wait3A_158, %dma_wait3A_159, %dma_wait3A_160] : memref<8x64x128xf32, #tpu.memory_space<vmem>> -> memref<1x64x128xf32, #tpu.memory_space<vmem>>
    %dma_wait3A_162 = tpu.memref_squeeze %dma_wait3A_161 : memref<1x64x128xf32, #tpu.memory_space<vmem>> -> memref<64x128xf32, #tpu.memory_space<vmem>>
    %dma_wait3A_163 = arith.constant 384 : i32
    %dma_wait3A_164 = tpu.memref_slice %arg5[%dma_wait3A_163] : memref<512xi32, #tpu.memory_space<vmem>> -> memref<64xi32, #tpu.memory_space<vmem>>
    %dma_wait3A_165 = arith.constant 0 : i32
    %dma_wait3A_166 = arith.constant 0 : i32
    %dma_wait3A_167 = tpu.memref_slice %arg2[%dma_wait3A_165, %dma_wait3A_166] : memref<8192x128xf32, #tpu.memory_space<hbm>> -> memref<8192x128xf32, #tpu.memory_space<hbm>>
    tpu.wait_indirect_dma semaphore(%arg7 : memref<!tpu.dma_semaphore, #tpu.memory_space<semaphore_mem>>) src(%dma_wait3A_167 : memref<8192x128xf32, #tpu.memory_space<hbm>>) dst(%dma_wait3A_162 : memref<64x128xf32, #tpu.memory_space<vmem>>)
    %add3A_168 = arith.constant 384 : i32
    %add3A_169 = arith.addi %mul3A_2, %add3A_168 : i32
    %run_scoped3A_170 = arith.constant 6 : i32
    "tpu.region"() ({
      %run_scoped3A_184 = tpu.sem_alloc : memref<!tpu.dma_semaphore, #tpu.memory_space<semaphore_mem>>
      %dma_start3A_185 = arith.constant 0 : i32
      %dma_start3A_186 = arith.constant 0 : i32
      %dma_start3A_187 = tpu.memref_slice %arg6[%run_scoped3A_170, %dma_start3A_185, %dma_start3A_186] : memref<8x64x128xf32, #tpu.memory_space<vmem>> -> memref<1x64x128xf32, #tpu.memory_space<vmem>>
      %dma_start3A_188 = tpu.memref_squeeze %dma_start3A_187 : memref<1x64x128xf32, #tpu.memory_space<vmem>> -> memref<64x128xf32, #tpu.memory_space<vmem>>
      %dma_start3A_189 = arith.constant 0 : i32
      %dma_start3A_190 = tpu.memref_slice %arg4[%add3A_169, %dma_start3A_189] : memref<16384x128xf32, #tpu.memory_space<hbm>> -> memref<64x128xf32, #tpu.memory_space<hbm>>
      %dma_start3A_191 = arith.constant 0 : i32
      %dma_start3A_192 = tpu.memref_slice %arg4[%add3A_169, %dma_start3A_191] : memref<16384x128xf32, #tpu.memory_space<hbm>> -> memref<64x128xf32, #tpu.memory_space<hbm>>
      %dma_start3A_193 = arith.constant 0 : i32
      %dma_start3A_194 = arith.constant 0 : i32
      %dma_start3A_195 = tpu.memref_slice %arg6[%run_scoped3A_170, %dma_start3A_193, %dma_start3A_194] : memref<8x64x128xf32, #tpu.memory_space<vmem>> -> memref<1x64x128xf32, #tpu.memory_space<vmem>>
      %dma_start3A_196 = tpu.memref_squeeze %dma_start3A_195 : memref<1x64x128xf32, #tpu.memory_space<vmem>> -> memref<64x128xf32, #tpu.memory_space<vmem>>
      tpu.enqueue_dma source(%dma_start3A_196 : memref<64x128xf32, #tpu.memory_space<vmem>>) target(%dma_start3A_192 : memref<64x128xf32, #tpu.memory_space<hbm>>) target_semaphore(%run_scoped3A_184 : memref<!tpu.dma_semaphore, #tpu.memory_space<semaphore_mem>>)
      %dma_wait3A_197 = arith.constant 0 : i32
      %dma_wait3A_198 = arith.constant 0 : i32
      %dma_wait3A_199 = tpu.memref_slice %arg6[%run_scoped3A_170, %dma_wait3A_197, %dma_wait3A_198] : memref<8x64x128xf32, #tpu.memory_space<vmem>> -> memref<1x64x128xf32, #tpu.memory_space<vmem>>
      %dma_wait3A_200 = tpu.memref_squeeze %dma_wait3A_199 : memref<1x64x128xf32, #tpu.memory_space<vmem>> -> memref<64x128xf32, #tpu.memory_space<vmem>>
      %dma_wait3A_201 = arith.constant 0 : i32
      %dma_wait3A_202 = tpu.memref_slice %arg4[%add3A_169, %dma_wait3A_201] : memref<16384x128xf32, #tpu.memory_space<hbm>> -> memref<64x128xf32, #tpu.memory_space<hbm>>
      %dma_wait3A_203 = arith.constant 0 : i32
      %dma_wait3A_204 = tpu.memref_slice %arg4[%add3A_169, %dma_wait3A_203] : memref<16384x128xf32, #tpu.memory_space<hbm>> -> memref<64x128xf32, #tpu.memory_space<hbm>>
      %dma_wait3A_205 = arith.constant 0 : i32
      %dma_wait3A_206 = arith.constant 0 : i32
      %dma_wait3A_207 = tpu.memref_slice %arg6[%run_scoped3A_170, %dma_wait3A_205, %dma_wait3A_206] : memref<8x64x128xf32, #tpu.memory_space<vmem>> -> memref<1x64x128xf32, #tpu.memory_space<vmem>>
      %dma_wait3A_208 = tpu.memref_squeeze %dma_wait3A_207 : memref<1x64x128xf32, #tpu.memory_space<vmem>> -> memref<64x128xf32, #tpu.memory_space<vmem>>
      tpu.wait_dma2 semaphore(%run_scoped3A_184 : memref<!tpu.dma_semaphore, #tpu.memory_space<semaphore_mem>>) src(%dma_wait3A_208 : memref<64x128xf32, #tpu.memory_space<vmem>>) dst(%dma_wait3A_204 : memref<64x128xf32, #tpu.memory_space<hbm>>)
      tpu.yield
    }) : () -> ()
    %dma_wait3A_171 = arith.constant 7 : i32
    %dma_wait3A_172 = arith.constant 0 : i32
    %dma_wait3A_173 = arith.constant 0 : i32
    %dma_wait3A_174 = tpu.memref_slice %arg6[%dma_wait3A_171, %dma_wait3A_172, %dma_wait3A_173] : memref<8x64x128xf32, #tpu.memory_space<vmem>> -> memref<1x64x128xf32, #tpu.memory_space<vmem>>
    %dma_wait3A_175 = tpu.memref_squeeze %dma_wait3A_174 : memref<1x64x128xf32, #tpu.memory_space<vmem>> -> memref<64x128xf32, #tpu.memory_space<vmem>>
    %dma_wait3A_176 = arith.constant 448 : i32
    %dma_wait3A_177 = tpu.memref_slice %arg5[%dma_wait3A_176] : memref<512xi32, #tpu.memory_space<vmem>> -> memref<64xi32, #tpu.memory_space<vmem>>
    %dma_wait3A_178 = arith.constant 0 : i32
    %dma_wait3A_179 = arith.constant 0 : i32
    %dma_wait3A_180 = tpu.memref_slice %arg2[%dma_wait3A_178, %dma_wait3A_179] : memref<8192x128xf32, #tpu.memory_space<hbm>> -> memref<8192x128xf32, #tpu.memory_space<hbm>>
    tpu.wait_indirect_dma semaphore(%arg7 : memref<!tpu.dma_semaphore, #tpu.memory_space<semaphore_mem>>) src(%dma_wait3A_180 : memref<8192x128xf32, #tpu.memory_space<hbm>>) dst(%dma_wait3A_175 : memref<64x128xf32, #tpu.memory_space<vmem>>)
    %add3A_181 = arith.constant 448 : i32
    %add3A_182 = arith.addi %mul3A_2, %add3A_181 : i32
    %run_scoped3A_183 = arith.constant 7 : i32
    "tpu.region"() ({
      %run_scoped3A_184 = tpu.sem_alloc : memref<!tpu.dma_semaphore, #tpu.memory_space<semaphore_mem>>
      %dma_start3A_185 = arith.constant 0 : i32
      %dma_start3A_186 = arith.constant 0 : i32
      %dma_start3A_187 = tpu.memref_slice %arg6[%run_scoped3A_183, %dma_start3A_185, %dma_start3A_186] : memref<8x64x128xf32, #tpu.memory_space<vmem>> -> memref<1x64x128xf32, #tpu.memory_space<vmem>>
      %dma_start3A_188 = tpu.memref_squeeze %dma_start3A_187 : memref<1x64x128xf32, #tpu.memory_space<vmem>> -> memref<64x128xf32, #tpu.memory_space<vmem>>
      %dma_start3A_189 = arith.constant 0 : i32
      %dma_start3A_190 = tpu.memref_slice %arg4[%add3A_182, %dma_start3A_189] : memref<16384x128xf32, #tpu.memory_space<hbm>> -> memref<64x128xf32, #tpu.memory_space<hbm>>
      %dma_start3A_191 = arith.constant 0 : i32
      %dma_start3A_192 = tpu.memref_slice %arg4[%add3A_182, %dma_start3A_191] : memref<16384x128xf32, #tpu.memory_space<hbm>> -> memref<64x128xf32, #tpu.memory_space<hbm>>
      %dma_start3A_193 = arith.constant 0 : i32
      %dma_start3A_194 = arith.constant 0 : i32
      %dma_start3A_195 = tpu.memref_slice %arg6[%run_scoped3A_183, %dma_start3A_193, %dma_start3A_194] : memref<8x64x128xf32, #tpu.memory_space<vmem>> -> memref<1x64x128xf32, #tpu.memory_space<vmem>>
      %dma_start3A_196 = tpu.memref_squeeze %dma_start3A_195 : memref<1x64x128xf32, #tpu.memory_space<vmem>> -> memref<64x128xf32, #tpu.memory_space<vmem>>
      tpu.enqueue_dma source(%dma_start3A_196 : memref<64x128xf32, #tpu.memory_space<vmem>>) target(%dma_start3A_192 : memref<64x128xf32, #tpu.memory_space<hbm>>) target_semaphore(%run_scoped3A_184 : memref<!tpu.dma_semaphore, #tpu.memory_space<semaphore_mem>>)
      %dma_wait3A_197 = arith.constant 0 : i32
      %dma_wait3A_198 = arith.constant 0 : i32
      %dma_wait3A_199 = tpu.memref_slice %arg6[%run_scoped3A_183, %dma_wait3A_197, %dma_wait3A_198] : memref<8x64x128xf32, #tpu.memory_space<vmem>> -> memref<1x64x128xf32, #tpu.memory_space<vmem>>
      %dma_wait3A_200 = tpu.memref_squeeze %dma_wait3A_199 : memref<1x64x128xf32, #tpu.memory_space<vmem>> -> memref<64x128xf32, #tpu.memory_space<vmem>>
      %dma_wait3A_201 = arith.constant 0 : i32
      %dma_wait3A_202 = tpu.memref_slice %arg4[%add3A_182, %dma_wait3A_201] : memref<16384x128xf32, #tpu.memory_space<hbm>> -> memref<64x128xf32, #tpu.memory_space<hbm>>
      %dma_wait3A_203 = arith.constant 0 : i32
      %dma_wait3A_204 = tpu.memref_slice %arg4[%add3A_182, %dma_wait3A_203] : memref<16384x128xf32, #tpu.memory_space<hbm>> -> memref<64x128xf32, #tpu.memory_space<hbm>>
      %dma_wait3A_205 = arith.constant 0 : i32
      %dma_wait3A_206 = arith.constant 0 : i32
      %dma_wait3A_207 = tpu.memref_slice %arg6[%run_scoped3A_183, %dma_wait3A_205, %dma_wait3A_206] : memref<8x64x128xf32, #tpu.memory_space<vmem>> -> memref<1x64x128xf32, #tpu.memory_space<vmem>>
      %dma_wait3A_208 = tpu.memref_squeeze %dma_wait3A_207 : memref<1x64x128xf32, #tpu.memory_space<vmem>> -> memref<64x128xf32, #tpu.memory_space<vmem>>
      tpu.wait_dma2 semaphore(%run_scoped3A_184 : memref<!tpu.dma_semaphore, #tpu.memory_space<semaphore_mem>>) src(%dma_wait3A_208 : memref<64x128xf32, #tpu.memory_space<vmem>>) dst(%dma_wait3A_204 : memref<64x128xf32, #tpu.memory_space<hbm>>)
      tpu.yield
    }) : () -> ()
    return
  }
}

module attributes {stable_mosaic.version = 14 : i64} {
  func.func @_argmax_decode_kernel(%arg0: i32, %arg1: memref<1024x32xf32, #tpu.memory_space<vmem>>, %arg2: memref<8192x32xf32, #tpu.memory_space<vmem>>, %arg3: memref<8192x32xf32, #tpu.memory_space<vmem>>, %arg4: memref<10x32xf32, #tpu.memory_space<vmem>>, %arg5: memref<1x10xf32, #tpu.memory_space<vmem>>, %arg6: memref<1024xi32, #tpu.memory_space<vmem>>, %arg7: memref<8192x128xf32, #tpu.memory_space<vmem>>) attributes {dimension_semantics = [#tpu.dimension_semantics<arbitrary>], iteration_bounds = array<i64: 16>, scalar_prefetch = 0 : i64, scratch_operands = 0 : i64, tpu.core_type = #tpu.core_type<tc>, window_params = [{transform_indices = @transform_0, window_bounds = array<i64: 1024, 32>}, {pipeline_mode = #tpu.pipeline_mode<synchronous>, transform_indices = @transform_1, window_bounds = array<i64: 8192, 32>}, {pipeline_mode = #tpu.pipeline_mode<synchronous>, transform_indices = @transform_2, window_bounds = array<i64: 8192, 32>}, {pipeline_mode = #tpu.pipeline_mode<synchronous>, transform_indices = @transform_3, window_bounds = array<i64: 10, 32>}, {pipeline_mode = #tpu.pipeline_mode<synchronous>, transform_indices = @transform_4, window_bounds = array<i64: 1, 10>}, {transform_indices = @transform_5, window_bounds = array<i64: 1024>}, {pipeline_mode = #tpu.pipeline_mode<synchronous>, transform_indices = @transform_6, window_bounds = array<i64: 8192, 128>}]} {
    %get3A = arith.constant 0 : index
    %get3A_0 = arith.constant 0 : index
    %get3A_1 = vector.load %arg1[%get3A, %get3A_0] : memref<1024x32xf32, #tpu.memory_space<vmem>>, vector<1024x32xf32>
    %get3A_2 = arith.constant 0 : index
    %get3A_3 = arith.constant 0 : index
    %get3A_4 = vector.load %arg2[%get3A_2, %get3A_3] : memref<8192x32xf32, #tpu.memory_space<vmem>>, vector<8192x32xf32>
    %dot_general3A = arith.constant dense<0.000000e+00> : vector<1024x8192xf32>
    %dot_general3A_5 = tpu.matmul %get3A_1, %get3A_4, %dot_general3A {dimension_numbers = #tpu.dot_dimension_numbers<[1], [1], [0], [0], [0, 0, 1, 0], [], []>, transpose_lhs_hint = false} : vector<1024x32xf32>, vector<8192x32xf32>, vector<1024x8192xf32> -> vector<1024x8192xf32>
    %argmax3A = tpu.reduce_index %dot_general3A_5 {axis = 1 : i32, kind = #tpu.reduction_kind<arg_max>} : vector<1024x8192xf32> -> vector<1024xi32>
    %swap3A = arith.constant 0 : index
    %swap3A_6 = vector.load %arg6[%swap3A] : memref<1024xi32, #tpu.memory_space<vmem>>, vector<1024xi32>
    tpu.vector_store %arg6[%swap3A], %argmax3A {strides = array<i32>} : memref<1024xi32, #tpu.memory_space<vmem>>, vector<1024xi32>,
    %eq3A = arith.constant 0 : i32
    %eq3A_7 = arith.cmpi eq, %arg0, %eq3A : i32
    %convert_element_type3A = arith.extui %eq3A_7 : i1 to i32
    %cond3A = arith.constant 0 : i32
    %cond3A_8 = arith.cmpi ne, %convert_element_type3A, %cond3A : i32
    scf.if %cond3A_8 {
      %get3A_9 = arith.constant 0 : index
      %get3A_10 = arith.constant 0 : index
      %get3A_11 = vector.load %arg3[%get3A_9, %get3A_10] : memref<8192x32xf32, #tpu.memory_space<vmem>>, vector<8192x32xf32>
      %get3A_12 = arith.constant 0 : index
      %get3A_13 = arith.constant 0 : index
      %get3A_14 = vector.load %arg4[%get3A_12, %get3A_13] : memref<10x32xf32, #tpu.memory_space<vmem>>, vector<10x32xf32>
      %dot_general3A_15 = arith.constant dense<0.000000e+00> : vector<8192x10xf32>
      %dot_general3A_16 = tpu.matmul %get3A_11, %get3A_14, %dot_general3A_15 {dimension_numbers = #tpu.dot_dimension_numbers<[1], [1], [0], [0], [0, 0, 1, 0], [], []>, transpose_lhs_hint = false} : vector<8192x32xf32>, vector<10x32xf32>, vector<8192x10xf32> -> vector<8192x10xf32>
      %get3A_17 = arith.constant 0 : index
      %get3A_18 = arith.constant 0 : index
      %get3A_19 = vector.load %arg5[%get3A_17, %get3A_18] : memref<1x10xf32, #tpu.memory_space<vmem>>, vector<1x10xf32>
      %add3A = vector.broadcast %get3A_19 : vector<1x10xf32> to vector<8192x10xf32>
      %add3A_20 = arith.addf %dot_general3A_16, %add3A : vector<8192x10xf32>
      %broadcast_in_dim3A = arith.constant 0.000000e+00 : f32
      %broadcast_in_dim3A_21 = vector.broadcast %broadcast_in_dim3A : f32 to vector<8192x118xf32>
      %concatenate3A = tpu.concatenate %add3A_20, %broadcast_in_dim3A_21 in 1 : vector<8192x10xf32>, vector<8192x118xf32> -> vector<8192x128xf32>
      %swap3A_22 = arith.constant 0 : index
      %swap3A_23 = arith.constant 0 : index
      %swap3A_24 = vector.load %arg7[%swap3A_22, %swap3A_23] : memref<8192x128xf32, #tpu.memory_space<vmem>>, vector<8192x128xf32>
      tpu.vector_store %arg7[%swap3A_22, %swap3A_23], %concatenate3A {strides = array<i32>} : memref<8192x128xf32, #tpu.memory_space<vmem>>, vector<8192x128xf32>,
    } else {
    }
    return
  }
  func.func @transform_0(%arg0: i32) -> (i32, i32) {
    %c0_i32 = arith.constant 0 : i32
    %c0_i32_0 = arith.constant 0 : i32
    return %arg0, %c0_i32 : i32, i32
  }
  func.func @transform_1(%arg0: i32) -> (i32, i32) {
    %c0_i32 = arith.constant 0 : i32
    %c0_i32_0 = arith.constant 0 : i32
    %c0_i32_1 = arith.constant 0 : i32
    return %c0_i32, %c0_i32_0 : i32, i32
  }
  func.func @transform_2(%arg0: i32) -> (i32, i32) {
    %c0_i32 = arith.constant 0 : i32
    %c0_i32_0 = arith.constant 0 : i32
    %c0_i32_1 = arith.constant 0 : i32
    return %c0_i32, %c0_i32_0 : i32, i32
  }
  func.func @transform_3(%arg0: i32) -> (i32, i32) {
    %c0_i32 = arith.constant 0 : i32
    %c0_i32_0 = arith.constant 0 : i32
    %c0_i32_1 = arith.constant 0 : i32
    return %c0_i32, %c0_i32_0 : i32, i32
  }
  func.func @transform_4(%arg0: i32) -> (i32, i32) {
    %c0_i32 = arith.constant 0 : i32
    %c0_i32_0 = arith.constant 0 : i32
    %c0_i32_1 = arith.constant 0 : i32
    return %c0_i32, %c0_i32_0 : i32, i32
  }
  func.func @transform_5(%arg0: i32) -> i32 {
    %c0_i32 = arith.constant 0 : i32
    return %arg0 : i32
  }
  func.func @transform_6(%arg0: i32) -> (i32, i32) {
    %c0_i32 = arith.constant 0 : i32
    %c0_i32_0 = arith.constant 0 : i32
    %c0_i32_1 = arith.constant 0 : i32
    return %c0_i32, %c0_i32_0 : i32, i32
  }
}

</mosaic_0001>

<sc_bundles>
// kernel: kernel.5.cloned.1.call-start
scs
__scs_entry_jumppad:
0x0: {  	(pc) =	sbr.rel $0x88, $3  }
0x1: {  	(tag) =	ssettag $0x0;
	lr =	simm.s32 $0x1  }
0x2: {  	[smem:$0x3F9C] =	sst lr;
	_ =	strace $0xD0000000  }
0x3: {  	_ = 	snop  }
0x4: {  	_ = 	snop  }
0x5: {  	_ = 	snop  }
0x6: {  	_ = 	snop  }
0x7: {  	_ = 	snop  }
__scs_overlays_trampoline_lowered:
0x8: {  	[smem:$0x3FAB] =	sst s0  }
0x9: {  	[smem:$0x3FAC] =	sst s1  }
0xa: {  	[smem:$0x3FAD] =	sst s2  }
0xb: {  	[smem:$0x3FAE] =	sst s3  }
0xc: {  	[smem:$0x3FAF] =	sst s4  }
0xd: {  	[smem:$0x3FB0] =	sst s5  }
0xe: {  	[smem:$0x3FB1] =	sst s6  }
0xf: {  	[smem:$0x3FB2] =	sst s7  }
0x10: {  	[smem:$0x3FB3] =	sst s8  }
0x11: {  	[smem:$0x3FB4] =	sst s9;
	s0 =	simm.s32 @!p0 $0x0  }
0x12: {  	s1 =	sld [smem:$0x3F9A];
	s0 =	simm.s32 @p0 $0x1  }
0x13: {  	[smem:$0x3FB5] =	sst s0;
	s0 =	simm.s32 @!p1 $0x0  }
0x14: {  	s2 =	sld [smem:$0x3F99];
	s0 =	simm.s32 @p1 $0x1  }
0x15: {  	[smem:$0x3FB6] =	sst s0;
	s0 =	simm.s32 @!p2 $0x0  }
0x16: {  	s3 =	sld [smem:$0x3FDB];
	s0 =	simm.s32 @p2 $0x1  }
0x17: {  	s4 =	simm.s32 $0x1BF5;
	[smem:$0x3FB8] =	sst s0  }
0x18: {  	s0 =	sld [smem:$0x3F9B];
	_ =	swait.ge [sflag:s4], $0x0  }
0x19: {  	s7 =	sld [smem:$0x3F9C]  }
0x1a: {  	s8 =	sadd.s32 $0xFFFFE003, lr  }
0x1b: {  	s9 =	sadd.s32 $0xFFFFFEF7, lr;
	s5 =	simm.s32 $0xFFFFFFFF;
	p2 =	slt.u32 s8, $0xFFFFF086  }
0x1c: {  	p1 =	slt.u32 s9, $0xF7A;
	s5 =	simm.s32 @!p2 $0x0  }
0x1d: {  	s5 =	simm.s32 @p1 $0x1;
	p0 =	seq.s32 s7, s2  }
0x1e: {  	s7 =	smul.u32 @!p0 $0xF7A, s2;
	p2 =	seq.s32 @!p0 s5, $0x0  }
0x1f: {  	s9 =	smul.u32 $0xF7A, s1;
	s8 =	simm.s32 @!p0 $0x1BF5;
	p2 =	por !p2, p0  }
0x20: {  	[sflag:s8] =	ssyncset.s32 @!p0 $0xFFFFF086;
	s6 =	sadd.s32 @!p0 s3, s7;
	s7 =	simm.s32 @!p0 $0x108  }
0x21: {  	s3 =	sadd.s32 s3, s9;
	s6 =	sadd.s32 @!p0 $0x88, s6;
	s7 =	simm.s32 @p2 $0x1082  }
0x22: {  	[simem:s7], [sflag:s8] =	dma.local @!p0 [hbm:s6], $0xF7A  }
0x23: {  	s9 =	sor.u32 $0xD0000000, s2;
	s6 =	simm.s32 $0x108;
	_ =	swait.ge @!p0 [sflag:s8], $0x0  }
0x24: {  	s3 =	sadd.s32 $0x88, s3;
	s6 =	simm.s32 @!p1 $0x1082;
	[sflag:s4] =	ssyncset.s32 $0xFFFFF086  }
0x25: {  	[simem:s6], [sflag:s4] =	dma.local [hbm:s3], $0xF7A  }
0x26: {  	[smem:$0x3F9C] =	sst s1;
	(tag) =	ssettag s2;
	_ =	strace s9  }
0x27: {  	s1 =	sld [smem:$0x3FAC]  }
0x28: {  	s2 =	sld [smem:$0x3FAD]  }
0x29: {  	s4 =	sld [smem:$0x3FAF]  }
0x2a: {  	p0 =	seq.s32 s5, $0x0;
	s5 =	sld [smem:$0x3FB0]  }
0x2b: {  	s6 =	sld [smem:$0x3FB1]  }
0x2c: {  	s7 =	sld [smem:$0x3FB2]  }
0x2d: {  	s3 =	simm.s32 $0x108;
	s8 =	sld [smem:$0x3FB3]  }
0x2e: {  	s3 =	simm.s32 @!p0 $0x1082;
	s9 =	sld [smem:$0x3FB4]  }
0x2f: {  	lr =	sadd.s32 s0, s3;
	s0 =	sld [smem:$0x3FAB]  }
0x30: {  	s3 =	sld [smem:$0x3FAE]  }
0x31: {  	[smem:$0x3FB7] =	sst s10  }
0x32: {  	s10 =	sld [smem:$0x3FB5];
	_ =	sdelay $0x3  }
0x33: {  	p0 =	seq.s32 s10, $0x1;
	s10 =	sld [smem:$0x3FB7];
	_ =	sdelay $0x3  }
0x34: {  	[smem:$0x3FB7] =	sst s10  }
0x35: {  	s10 =	sld [smem:$0x3FB6];
	_ =	sdelay $0x3  }
0x36: {  	p1 =	seq.s32 s10, $0x1;
	s10 =	sld [smem:$0x3FB7];
	_ =	sdelay $0x3  }
0x37: {  	[smem:$0x3FB7] =	sst s10  }
0x38: {  	s10 =	sld [smem:$0x3FB8]  }
0x39: {  	_ = 	snop;
	(pc) =	sbr.ind lr, $3  }
0x3a: {  	_ = 	snop  }
0x3b: {  	_ = 	snop  }
0x3c: {  	p2 =	seq.s32 s10, $0x1;
	s10 =	sld [smem:$0x3FB7]  }
0x3d: {  	_ =	shalt  }
0x3e: {  	_ =	shalt  }
0x3f: {  	_ =	shalt  }
0x40: {  	_ =	shalt  }
0x41: {  	_ =	shalt  }
0x42: {  	_ =	shalt  }
0x43: {  	_ =	shalt  }
0x44: {  	_ =	shalt  }
0x45: {  	_ =	shalt  }
0x46: {  	_ =	shalt  }
0x47: {  	_ =	shalt  }
0x48: {  	_ =	shalt  }
0x49: {  	_ =	shalt  }
0x4a: {  	_ =	shalt  }
0x4b: {  	_ =	shalt  }
0x4c: {  	_ =	shalt  }
0x4d: {  	_ =	shalt  }
0x4e: {  	_ =	shalt  }
0x4f: {  	_ =	shalt  }
0x50: {  	_ =	shalt  }
0x51: {  	_ =	shalt  }
0x52: {  	_ =	shalt  }
0x53: {  	_ =	shalt  }
0x54: {  	_ =	shalt  }
0x55: {  	_ =	shalt  }
0x56: {  	_ =	shalt  }
0x57: {  	_ =	shalt  }
0x58: {  	_ =	shalt  }
0x59: {  	_ =	shalt  }
0x5a: {  	_ =	shalt  }
0x5b: {  	_ =	shalt  }
0x5c: {  	_ =	shalt  }
0x5d: {  	_ =	shalt  }
0x5e: {  	_ =	shalt  }
0x5f: {  	_ =	shalt  }
0x60: {  	_ =	shalt  }
0x61: {  	_ =	shalt  }
0x62: {  	_ =	shalt  }
0x63: {  	_ =	shalt  }
0x64: {  	_ =	shalt  }
0x65: {  	_ =	shalt  }
0x66: {  	_ =	shalt  }
0x67: {  	_ =	shalt  }
0x68: {  	_ =	shalt  }
0x69: {  	_ =	shalt  }
0x6a: {  	_ =	shalt  }
0x6b: {  	_ =	shalt  }
0x6c: {  	_ =	shalt  }
0x6d: {  	_ =	shalt  }
0x6e: {  	_ =	shalt  }
0x6f: {  	_ =	shalt  }
0x70: {  	_ =	shalt  }
0x71: {  	_ =	shalt  }
0x72: {  	_ =	shalt  }
0x73: {  	_ =	shalt  }
0x74: {  	_ =	shalt  }
0x75: {  	_ =	shalt  }
0x76: {  	_ =	shalt  }
0x77: {  	_ =	shalt  }
0x78: {  	_ =	shalt  }
0x79: {  	_ =	shalt  }
0x7a: {  	_ =	shalt  }
0x7b: {  	_ =	shalt  }
0x7c: {  	_ =	shalt  }
0x7d: {  	_ =	shalt  }
0x7e: {  	_ =	shalt  }
0x7f: {  	_ =	shalt  }
0x80: {  	_ =	shalt  }
0x81: {  	_ =	shalt  }
0x82: {  	_ =	shalt  }
0x83: {  	_ =	shalt  }
0x84: {  	_ =	shalt  }
0x85: {  	_ =	shalt  }
0x86: {  	_ =	shalt  }
0x87: {  	_ =	shalt  }
.Lfunc_end0:
.L_simem_size_0:
called_computation_lowered:
.L_overlay_start_0:
0x88: {  	s2 =	sld [smem:$0x3FD9]  }
0x89: {  	s3 =	sld [smem:$0x3FFE];
	_ =	sdelay $0x1  }
0x8a: {  	s1 =	srdreg.scid  }
0x8b: {  	s0 =	sand.u32 $0x1, s1  }
0x8c: {  	s17 =	sshll.u32 s0, $0xA;
	s2 =	sadd.s32 s3, s2  }
0x8d: {  	s2 =	sadd.s32 s2, s17  }
0x8e: {  	[smem:$0x3FC3] =	sst s2  }
0x8f: {  	_ = 	snop  }
0x90: {  	s2 =	sld [smem:$0x3FD0];
	(tm) =	ssettm $0x1  }
0x91: {  	s18 =	sld [smem:$0x3FFB];
	_ =	sdelay $0x3  }
0x92: {  	_ =	strace s18  }
0x93: {  	s3 =	sld [smem:$0x3FFC];
	_ =	sdelay $0x3  }
0x94: {  	_ =	strace s3  }
0x95: {  	s3 =	sld [smem:$0x3FFD];
	_ =	sdelay $0x3  }
0x96: {  	_ =	strace s3  }
0x97: {  	_ =	strace $0x8FFFFFFF  }
0x98: {  	s19 =	sld [smem:$0x3FDB];
	_ =	sdelay $0x1  }
0x99: {  	s4 =	simm.s32 $_scs_section_size  }
0x9a: {  	s5 =	simm.s32 $_size__tile_overlayer_lowered;
	s6 =	simm.s32 $_tile_overlayer_lowered  }
0x9b: {  	s22 =	simm.s32 $0x1BFF;
	s21 =	sshll.u32 s6, $0x1;
	s3 =	sadd.s32 s4, s19  }
0x9c: {  	s7 =	simm.s32 $0x0;
	s20 =	sshll.u32 s5, $0x1;
	s5 =	sadd.s32 s21, s3  }
0x9d: {  	[timem:s7], [sflag:s22] =	dma.local [hbm:s5], s20  }
0x9e: {  	_ =	swait.ge [sflag:s22], s20  }
0x9f: {  	s4 =	ssub.s32 $0x0, s20;
	[sflag:s22] =	ssyncset.done $0x0  }
0xa0: {  	[sflag:s22] =	ssyncadd.s32 s4;
	_ =	sdelay $0x1  }
0xa1: {  	s23 =	simm.s32 $0x1B8B  }
0xa2: {  	_ =	swait.ge [sflag:s23], $0x1  }
0xa3: {  	[sflag:s23] =	ssyncset.done $0x0  }
0xa4: {  	s25 =	simm.s32 $0x1B8E;
	s24 =	sld [smem:$0x3FFE];
	[sflag:s23] =	ssyncadd.s32 $0xFFFFFFFF  }
0xa5: {  	s26 =	simm.s32 $execute0_lowered;
	[smem:$0x3FD2] =	sst s25  }
0xa6: {  	s5 =	sshll.u32 s26, $0x1;
	_ =	strace $0x80000046;
	[dreg:$0x1] =	wrdreg $0xFFFFFFFF  }
0xa7: {  	s28 =	simm.s32 $_size_execute0_lowered;
	s3 =	sadd.s32 s3, s5;
	[dreg:$0x0] =	wrdreg $0x0  }
0xa8: {  	s5 =	sshll.u32 s28, $0x1;
	[dreg:$0x2] =	wrdreg s3  }
0xa9: {  	[dreg:$0x3] =	wrdreg s5  }
0xaa: {  	[dreg:$0x4] =	wrdreg $0xC0  }
0xab: {  	_ =	task [dreg:s7], $0x5FFFF  }
0xac: {  	[dreg:$0x1] =	wrdreg $0xFFFFFFFF  }
0xad: {  	[dreg:$0x0] =	wrdreg $0x60  }
0xae: {  	[dreg:$0x2] =	wrdreg s24  }
0xaf: {  	[dreg:$0x3] =	wrdreg s2  }
0xb0: {  	[dreg:$0x4] =	wrdreg $0x9  }
0xb1: {  	_ =	task.clear_ibuf [dreg:s7], $0x5FFFF;
	_ =	strace $0x90000046  }
0xb2: {  	s29 =	simm.s32 $0x9;
	_ =	strace $0x80000048  }
0xb3: {  	_ =	swait.ge [sflag:s29], $0x1  }
0xb4: {  	[sflag:s29] =	ssyncadd.s32 $0xFFFFFFFF  }
0xb5: {  	_ =	strace $0x90000048  }
0xb6: {  	_ =	sfence  }
0xb7: {  	s30 =	sld [smem:$0x0];
	_ =	sdelay $0x2  }
0xb8: {  	s31 =	sshll.u32 s1, $0xD;
	s1 =	sshrl.u32 s1, $0x2  }
0xb9: {  	s3 =	sand.u32 $0x4000, s31;
	s1 =	sadd.s32 s1, s30  }
0xba: {  	s0 =	sor.u32 s3, s0;
	s1 =	sshll.u32 s1, $0x11  }
0xbb: {  	s0 =	sor.u32 s1, s0  }
0xbc: {  	s0 =	sadd.s32 $0x8F2B, s0  }
0xbd: {  	[sflag:s0] =	ssyncadd.remote.s32 $0x1  }
0xbe: {  	_ =	sfence.sel $0xFFFF  }
0xbf: {  	[dreg:$0x0] =	wrdreg $0xFFFFFFFF;
	(pc) =	sbr.abs _section_cstart, $3  }
0xc0: {  	[dreg:$0x1] =	wrdreg $0xFFFFFFFF  }
0xc1: {  	_ =	task.clear_ibuf [dreg:s7], $0x2FFFF;
	_ =	strace $0x9FFFFFFF  }
0xc2: {  	(tm) =	ssettm $0x7FFFFFFF  }
0xc3: {  	_ =	shalt  }
tec
execute0_lowered:
.L_overlay_start_1:
0x0: {  	(tag) =	ssettag $0x1  }
0x1: {  	s1 =	srdreg.scid  }
0x2: {  	s0 =	stileid.u32;
	s30 =	sand.u32 $0x1, s1  }
0x3: {  	s22 =	rddreg [dreg:$0x0];
	s4 =	sshll.u32 s0, $0xA;
	s5 =	sshll.u32 s30, $0x9  }
0x4: {  	s3 =	rddreg [dreg:$0x1];
	s2 =	simm.s32 $0x0;
	s23 =	sor.u32 s5, s4  }
0x5: {  	[smem:$0x7FF] =	sst s2;
	s4 =	sshrl.u32 s23, $0x3  }
0x6: {  	_ =	strace $0x80000047;
	s4 =	sadd.s32 s3, s4;
	s3 =	simm.s32 $0x2  }
0x7: {  	[tilespmem:s2], [sflag:$0x2] =	stream.linear.gather [hbm4b:s4+s2], $0x200, $0x38;
	[tilespmem:$0x10200] =	vst v63  }
0x8: {  	_ =	swait.ge [sflag:s3], $0x200  }
0x9: {  	s6 =	simm.s32 $0x40;
	[sflag:s3] =	ssyncset.done $0x0  }
0xa: {  	s7 =	simm.s32 $0x200;
	s5 =	sadd.s32 $0xE00, s22;
	[sflag:s3] =	ssyncadd.s32 $0xFFFFFE00  }
0xb: {  	[tilespmem:s7], [sflag:$0x1] =	stream.indirect.gather [hbm4b:s5+s6], $0x80, s2, s6, $0xb8;
	[tilespmem:$0x10200] =	vst v63  }
0xc: {  	s8 =	simm.s32 $0x2200  }
0xd: {  	[tilespmem:s8], [sflag:$0x1] =	stream.indirect.gather [hbm4b:s5+s6], $0x80, s6, s6, $0xb8;
	[tilespmem:$0x10200] =	vst v63  }
0xe: {  	s9 =	simm.s32 $0x80;
	s10 =	simm.s32 $0x4200  }
0xf: {  	[tilespmem:s10], [sflag:$0x1] =	stream.indirect.gather [hbm4b:s5+s6], $0x80, s9, s6, $0xb8;
	[tilespmem:$0x10200] =	vst v63  }
0x10: {  	s11 =	simm.s32 $0xC0;
	s12 =	simm.s32 $0x6200  }
0x11: {  	[tilespmem:s12], [sflag:$0x1] =	stream.indirect.gather [hbm4b:s5+s6], $0x80, s11, s6, $0xb8;
	[tilespmem:$0x10200] =	vst v63  }
0x12: {  	s13 =	simm.s32 $0x100;
	s14 =	simm.s32 $0x8200  }
0x13: {  	[tilespmem:s14], [sflag:$0x1] =	stream.indirect.gather [hbm4b:s5+s6], $0x80, s13, s6, $0xb8;
	[tilespmem:$0x10200] =	vst v63  }
0x14: {  	s15 =	simm.s32 $0x140;
	s16 =	simm.s32 $0xA200  }
0x15: {  	[tilespmem:s16], [sflag:$0x1] =	stream.indirect.gather [hbm4b:s5+s6], $0x80, s15, s6, $0xb8;
	[tilespmem:$0x10200] =	vst v63  }
0x16: {  	s17 =	simm.s32 $0x180;
	s18 =	simm.s32 $0xC200  }
0x17: {  	[tilespmem:s18], [sflag:$0x1] =	stream.indirect.gather [hbm4b:s5+s6], $0x80, s17, s6, $0xb8;
	[tilespmem:$0x10200] =	vst v63  }
0x18: {  	s19 =	simm.s32 $0x1C0;
	s20 =	simm.s32 $0xE200;
	s21 =	simm.s32 $0x1  }
0x19: {  	[tilespmem:s20], [sflag:$0x1] =	stream.indirect.gather [hbm4b:s5+s6], $0x80, s19, s6, $0xb8;
	[tilespmem:$0x10200] =	vst v63  }
0x1a: {  	s23 =	sshll.u32 s23, $0x4;
	_ =	swait.ge [sflag:s21], $0x2000  }
0x1b: {  	s31 =	sadd.s32 s23, s22;
	[sflag:s21] =	ssyncset.done $0x0  }
0x1c: {  	s22 =	sadd.s32 $0x20E00, s31;
	[sflag:s21] =	ssyncadd.s32 $0xFFFFE000  }
0x1d: {  	[hbm4b:s22+s2] =	stream.linear.scatter [tilespmem:s7], [sflag:$0x2], $0x2000, $0x38;
	[tilespmem:$0x10200] =	vst v63  }
0x1e: {  	_ =	swait.ge [sflag:s3], $0x2000  }
0x1f: {  	[sflag:s3] =	ssyncset.done $0x0  }
0x20: {  	[sflag:s3] =	ssyncadd.s32 $0xFFFFE000  }
0x21: {  	_ =	swait.ge [sflag:s21], $0x2000  }
0x22: {  	[sflag:s21] =	ssyncset.done $0x0  }
0x23: {  	s23 =	sadd.s32 $0x21200, s31;
	[sflag:s21] =	ssyncadd.s32 $0xFFFFE000  }
0x24: {  	[hbm4b:s23+s2] =	stream.linear.scatter [tilespmem:s8], [sflag:$0x2], $0x2000, $0x38;
	[tilespmem:$0x10200] =	vst v63  }
0x25: {  	_ =	swait.ge [sflag:s3], $0x2000  }
0x26: {  	[sflag:s3] =	ssyncset.done $0x0  }
0x27: {  	[sflag:s3] =	ssyncadd.s32 $0xFFFFE000  }
0x28: {  	_ =	swait.ge [sflag:s21], $0x2000  }
0x29: {  	[sflag:s21] =	ssyncset.done $0x0  }
0x2a: {  	s24 =	sadd.s32 $0x21600, s31;
	[sflag:s21] =	ssyncadd.s32 $0xFFFFE000  }
0x2b: {  	[hbm4b:s24+s2] =	stream.linear.scatter [tilespmem:s10], [sflag:$0x2], $0x2000, $0x38;
	[tilespmem:$0x10200] =	vst v63  }
0x2c: {  	_ =	swait.ge [sflag:s3], $0x2000  }
0x2d: {  	[sflag:s3] =	ssyncset.done $0x0  }
0x2e: {  	[sflag:s3] =	ssyncadd.s32 $0xFFFFE000  }
0x2f: {  	_ =	swait.ge [sflag:s21], $0x2000  }
0x30: {  	[sflag:s21] =	ssyncset.done $0x0  }
0x31: {  	s25 =	sadd.s32 $0x21A00, s31;
	[sflag:s21] =	ssyncadd.s32 $0xFFFFE000  }
0x32: {  	[hbm4b:s25+s2] =	stream.linear.scatter [tilespmem:s12], [sflag:$0x2], $0x2000, $0x38;
	[tilespmem:$0x10200] =	vst v63  }
0x33: {  	_ =	swait.ge [sflag:s3], $0x2000  }
0x34: {  	[sflag:s3] =	ssyncset.done $0x0  }
0x35: {  	[sflag:s3] =	ssyncadd.s32 $0xFFFFE000  }
0x36: {  	_ =	swait.ge [sflag:s21], $0x2000  }
0x37: {  	[sflag:s21] =	ssyncset.done $0x0  }
0x38: {  	s26 =	sadd.s32 $0x21E00, s31;
	[sflag:s21] =	ssyncadd.s32 $0xFFFFE000  }
0x39: {  	[hbm4b:s26+s2] =	stream.linear.scatter [tilespmem:s14], [sflag:$0x2], $0x2000, $0x38;
	[tilespmem:$0x10200] =	vst v63  }
0x3a: {  	_ =	swait.ge [sflag:s3], $0x2000  }
0x3b: {  	[sflag:s3] =	ssyncset.done $0x0  }
0x3c: {  	[sflag:s3] =	ssyncadd.s32 $0xFFFFE000  }
0x3d: {  	_ =	swait.ge [sflag:s21], $0x2000  }
0x3e: {  	[sflag:s21] =	ssyncset.done $0x0  }
0x3f: {  	s28 =	sadd.s32 $0x22200, s31;
	[sflag:s21] =	ssyncadd.s32 $0xFFFFE000  }
0x40: {  	[hbm4b:s28+s2] =	stream.linear.scatter [tilespmem:s16], [sflag:$0x2], $0x2000, $0x38;
	[tilespmem:$0x10200] =	vst v63  }
0x41: {  	_ =	swait.ge [sflag:s3], $0x2000  }
0x42: {  	[sflag:s3] =	ssyncset.done $0x0  }
0x43: {  	[sflag:s3] =	ssyncadd.s32 $0xFFFFE000  }
0x44: {  	_ =	swait.ge [sflag:s21], $0x2000  }
0x45: {  	[sflag:s21] =	ssyncset.done $0x0  }
0x46: {  	s30 =	ssub.s32 $0x2, s30;
	s29 =	sadd.s32 $0x22600, s31;
	[sflag:s21] =	ssyncadd.s32 $0xFFFFE000  }
0x47: {  	[hbm4b:s29+s2] =	stream.linear.scatter [tilespmem:s18], [sflag:$0x2], $0x2000, $0x38;
	[tilespmem:$0x10200] =	vst v63  }
0x48: {  	s1 =	sshrl.u32 s30, $0x1;
	_ =	swait.ge [sflag:s3], $0x2000  }
0x49: {  	s1 =	ssub.s32 s30, s1;
	[sflag:s3] =	ssyncset.done $0x0  }
0x4a: {  	s1 =	smax.u32 s1, $0x1;
	[sflag:s3] =	ssyncadd.s32 $0xFFFFE000  }
0x4b: {  	p0 =	sne.s32 s1, $0x1;
	_ =	swait.ge [sflag:s21], $0x2000  }
.Ltmp0:
0x4c: {  	[sflag:s21] =	ssyncset.done $0x0;
	(pc) =	sbr.rel @!p0 .LBB2_2-.Ltmp0, $4  }
0x4d: {  	s30 =	sadd.s32 $0x22A00, s31;
	[sflag:s21] =	ssyncadd.s32 $0xFFFFE000  }
0x4e: {  	[hbm4b:s30+s2] =	stream.linear.scatter [tilespmem:s20], [sflag:$0x2], $0x2000, $0x38;
	[tilespmem:$0x10200] =	vst v63  }
0x4f: {  	_ =	swait.ge [sflag:s3], $0x2000  }
0x50: {  	s31 =	sadd.s32 $0xFFFFFFFF, s1;
	[sflag:s3] =	ssyncset.done $0x0  }
.LBB2_1:
0x51: {  	p0 =	sne.s32 s31, $0x1;
	s31 =	sadd.s32 $0xFFFFFFFF, s31;
	[sflag:s3] =	ssyncadd.s32 $0xFFFFE000  }
0x52: {  	[tilespmem:s2], [sflag:$0x2] =	stream.linear.gather [hbm4b:s4+s2], $0x200, $0x38;
	[tilespmem:$0x10200] =	vst v63  }
0x53: {  	_ =	swait.ge [sflag:s3], $0x200  }
0x54: {  	[sflag:s3] =	ssyncset.done $0x0  }
0x55: {  	[sflag:s3] =	ssyncadd.s32 $0xFFFFFE00  }
0x56: {  	[tilespmem:s7], [sflag:$0x1] =	stream.indirect.gather [hbm4b:s5+s6], $0x80, s2, s6, $0xb8;
	[tilespmem:$0x10200] =	vst v63  }
0x57: {  	_ = 	snop  }
0x58: {  	[tilespmem:s8], [sflag:$0x1] =	stream.indirect.gather [hbm4b:s5+s6], $0x80, s6, s6, $0xb8;
	[tilespmem:$0x10200] =	vst v63  }
0x59: {  	_ = 	snop  }
0x5a: {  	[tilespmem:s10], [sflag:$0x1] =	stream.indirect.gather [hbm4b:s5+s6], $0x80, s9, s6, $0xb8;
	[tilespmem:$0x10200] =	vst v63  }
0x5b: {  	_ = 	snop  }
0x5c: {  	[tilespmem:s12], [sflag:$0x1] =	stream.indirect.gather [hbm4b:s5+s6], $0x80, s11, s6, $0xb8;
	[tilespmem:$0x10200] =	vst v63  }
0x5d: {  	_ = 	snop  }
0x5e: {  	[tilespmem:s14], [sflag:$0x1] =	stream.indirect.gather [hbm4b:s5+s6], $0x80, s13, s6, $0xb8;
	[tilespmem:$0x10200] =	vst v63  }
0x5f: {  	_ = 	snop  }
0x60: {  	[tilespmem:s16], [sflag:$0x1] =	stream.indirect.gather [hbm4b:s5+s6], $0x80, s15, s6, $0xb8;
	[tilespmem:$0x10200] =	vst v63  }
0x61: {  	_ = 	snop  }
0x62: {  	[tilespmem:s18], [sflag:$0x1] =	stream.indirect.gather [hbm4b:s5+s6], $0x80, s17, s6, $0xb8;
	[tilespmem:$0x10200] =	vst v63  }
0x63: {  	_ = 	snop  }
0x64: {  	[tilespmem:s20], [sflag:$0x1] =	stream.indirect.gather [hbm4b:s5+s6], $0x80, s19, s6, $0xb8;
	[tilespmem:$0x10200] =	vst v63  }
0x65: {  	_ =	swait.ge [sflag:s21], $0x2000  }
0x66: {  	[sflag:s21] =	ssyncset.done $0x0  }
0x67: {  	[sflag:s21] =	ssyncadd.s32 $0xFFFFE000  }
0x68: {  	[hbm4b:s22+s2] =	stream.linear.scatter [tilespmem:s7], [sflag:$0x2], $0x2000, $0x38;
	[tilespmem:$0x10200] =	vst v63  }
0x69: {  	_ =	swait.ge [sflag:s3], $0x2000  }
0x6a: {  	[sflag:s3] =	ssyncset.done $0x0  }
0x6b: {  	[sflag:s3] =	ssyncadd.s32 $0xFFFFE000  }
0x6c: {  	_ =	swait.ge [sflag:s21], $0x2000  }
0x6d: {  	[sflag:s21] =	ssyncset.done $0x0  }
0x6e: {  	[sflag:s21] =	ssyncadd.s32 $0xFFFFE000  }
0x6f: {  	[hbm4b:s23+s2] =	stream.linear.scatter [tilespmem:s8], [sflag:$0x2], $0x2000, $0x38;
	[tilespmem:$0x10200] =	vst v63  }
0x70: {  	_ =	swait.ge [sflag:s3], $0x2000  }
0x71: {  	[sflag:s3] =	ssyncset.done $0x0  }
0x72: {  	[sflag:s3] =	ssyncadd.s32 $0xFFFFE000  }
0x73: {  	_ =	swait.ge [sflag:s21], $0x2000  }
0x74: {  	[sflag:s21] =	ssyncset.done $0x0  }
0x75: {  	[sflag:s21] =	ssyncadd.s32 $0xFFFFE000  }
0x76: {  	[hbm4b:s24+s2] =	stream.linear.scatter [tilespmem:s10], [sflag:$0x2], $0x2000, $0x38;
	[tilespmem:$0x10200] =	vst v63  }
0x77: {  	_ =	swait.ge [sflag:s3], $0x2000  }
0x78: {  	[sflag:s3] =	ssyncset.done $0x0  }
0x79: {  	[sflag:s3] =	ssyncadd.s32 $0xFFFFE000  }
0x7a: {  	_ =	swait.ge [sflag:s21], $0x2000  }
0x7b: {  	[sflag:s21] =	ssyncset.done $0x0  }
0x7c: {  	[sflag:s21] =	ssyncadd.s32 $0xFFFFE000  }
0x7d: {  	[hbm4b:s25+s2] =	stream.linear.scatter [tilespmem:s12], [sflag:$0x2], $0x2000, $0x38;
	[tilespmem:$0x10200] =	vst v63  }
0x7e: {  	_ =	swait.ge [sflag:s3], $0x2000  }
0x7f: {  	[sflag:s3] =	ssyncset.done $0x0  }
0x80: {  	[sflag:s3] =	ssyncadd.s32 $0xFFFFE000  }
0x81: {  	_ =	swait.ge [sflag:s21], $0x2000  }
0x82: {  	[sflag:s21] =	ssyncset.done $0x0  }
0x83: {  	[sflag:s21] =	ssyncadd.s32 $0xFFFFE000  }
0x84: {  	[hbm4b:s26+s2] =	stream.linear.scatter [tilespmem:s14], [sflag:$0x2], $0x2000, $0x38;
	[tilespmem:$0x10200] =	vst v63  }
0x85: {  	_ =	swait.ge [sflag:s3], $0x2000  }
0x86: {  	[sflag:s3] =	ssyncset.done $0x0  }
0x87: {  	[sflag:s3] =	ssyncadd.s32 $0xFFFFE000  }
0x88: {  	_ =	swait.ge [sflag:s21], $0x2000  }
0x89: {  	[sflag:s21] =	ssyncset.done $0x0  }
0x8a: {  	[sflag:s21] =	ssyncadd.s32 $0xFFFFE000  }
0x8b: {  	[hbm4b:s28+s2] =	stream.linear.scatter [tilespmem:s16], [sflag:$0x2], $0x2000, $0x38;
	[tilespmem:$0x10200] =	vst v63  }
0x8c: {  	_ =	swait.ge [sflag:s3], $0x2000  }
0x8d: {  	[sflag:s3] =	ssyncset.done $0x0  }
0x8e: {  	[sflag:s3] =	ssyncadd.s32 $0xFFFFE000  }
0x8f: {  	_ =	swait.ge [sflag:s21], $0x2000  }
0x90: {  	[sflag:s21] =	ssyncset.done $0x0  }
0x91: {  	[sflag:s21] =	ssyncadd.s32 $0xFFFFE000  }
0x92: {  	[hbm4b:s29+s2] =	stream.linear.scatter [tilespmem:s18], [sflag:$0x2], $0x2000, $0x38;
	[tilespmem:$0x10200] =	vst v63  }
0x93: {  	_ =	swait.ge [sflag:s3], $0x2000  }
0x94: {  	[sflag:s3] =	ssyncset.done $0x0  }
0x95: {  	[sflag:s3] =	ssyncadd.s32 $0xFFFFE000  }
0x96: {  	_ =	swait.ge [sflag:s21], $0x2000  }
.Ltmp1:
0x97: {  	[sflag:s21] =	ssyncset.done $0x0;
	(pc) =	sbr.rel @p0 .LBB2_1-.Ltmp1, $4  }
0x98: {  	[sflag:s21] =	ssyncadd.s32 $0xFFFFE000  }
0x99: {  	[hbm4b:s30+s2] =	stream.linear.scatter [tilespmem:s20], [sflag:$0x2], $0x2000, $0x38;
	[tilespmem:$0x10200] =	vst v63  }
0x9a: {  	_ =	swait.ge [sflag:s3], $0x2000  }
0x9b: {  	[sflag:s3] =	ssyncset.done $0x0  }
.LBB2_2:
0x9c: {  	[sflag:s3] =	ssyncadd.s32 $0xFFFFE000  }
0x9d: {  	_ =	sfence.sel $0x180000  }
0x9e: {  	[bflag:$0x0] =	sbarrier.arrive $0xFFFF  }
0x9f: {  	_ =	strace $0x90000047  }
0xa0: {  	[bflag:$0x2] =	sbarrier.arrive $0xFFFF  }
0xa1: {  	p0 =	sne.s32 s0, $0x0;
	s0 =	rddreg [dreg:$0x2]  }
0xa2: {  	s0 =	sadd.s32 @!p0 $0x100000, s0  }
0xa3: {  	[sflag:s0] =	ssyncadd.tile.s32 @!p0 $0x1;
	_ =	shalt  }
.Lfunc_end2:
_tile_overlayer_lowered:
.L_overlay_start_2:
0xa4: {  	(tag) =	ssettag $0x2  }
0xa5: {  	s0 =	rddreg [dreg:$0x0];
	s2 =	stileid.u32  }
0xa6: {  	s1 =	rddreg [dreg:$0x1];
	p0 =	sne.s32 s2, $0x0  }
0xa7: {  	s3 =	rddreg [dreg:$0x2];
	[bflag:$0x3] =	sbarrier.arrive $0xFFFF;
	s2 =	simm.s32 @!p0 $0x1C02  }
0xa8: {  	[timem:s3], [sflag:s2] =	dma.local @!p0 [hbm:s0], s1  }
0xa9: {  	s0 =	simm.s32 @!p0 $0x2  }
0xaa: {  	_ =	swait.ge @!p0 [sflag:s0], s1  }
0xab: {  	s1 =	ssub.s32 @!p0 $0x0, s1;
	[sflag:s0] =	ssyncset.done @!p0 $0x0  }
0xac: {  	[sflag:s0] =	ssyncadd.s32 @!p0 s1  }
0xad: {  	[bflag:$0x3] =	sbarrier.arrive $0xFFFF  }
0xae: {  	_ =	shalt  }

</sc_bundles>
